<compile_context>
chip_gen: v7x
topology: tpu7x:2x2x1
jax: 0.10.2.dev20260603
libtpu: 0.0.44.dev20260713+nightly
codegen_flags: <defaults>
</compile_context>

<pallas_src>
import functools

import jax
import jax.numpy as jnp
from jax import lax
from jax.experimental import pallas as pl
from jax.experimental.pallas import tpu as pltpu
from jax.experimental.pallas import tpu_sc as plsc

_L = 16
_NC = 2
_NS = 16
_NCH = 2


def _round_up(x, m):
    return (x + m - 1) // m * m


def _sc_accumulate(vtab, idx, T2, CH):
    TS = T2 // _NS
    FPT = _NCH * CH
    NPc = _NS * FPT
    C3 = 3 * CH
    mesh = plsc.VectorSubcoreMesh(core_axis_name="c", subcore_axis_name="s")

    @functools.partial(
        pl.kernel,
        out_type=jax.ShapeDtypeStruct((_NC * 4 * T2,), jnp.float32),
        mesh=mesh,
        scratch_types=[
            pltpu.VMEM((C3,), jnp.int32),
            pltpu.VMEM((C3,), jnp.float32),
            pltpu.VMEM((C3,), jnp.float32),
            pltpu.VMEM_SHARED((T2,), jnp.float32),
            pltpu.VMEM_SHARED((T2,), jnp.float32),
            pltpu.VMEM_SHARED((T2,), jnp.float32),
            pltpu.VMEM_SHARED((T2,), jnp.float32),
            pltpu.VMEM_SHARED((T2,), jnp.float32),
            pltpu.VMEM_SHARED((T2,), jnp.float32),
            pltpu.VMEM_SHARED((T2,), jnp.float32),
            pltpu.SemaphoreType.DMA,
            pltpu.SemaphoreType.DMA,
        ],
    )
    def k(vtab_h, idx_h, p_h,
          idxall, g, sr,
          tvx, tvy, tvz, ax, ay, az, ac,
          sem_g, sem_s):
        c = lax.axis_index("c")
        s = lax.axis_index("s")

        zero16 = jnp.zeros((_L,), jnp.float32)

        def fillz(i, _):
            sr[pl.ds(i * _L, _L)] = zero16
            return 0

        lax.fori_loop(0, TS // _L, fillz, 0)

        toff = s * TS
        tsl = pl.ds(toff, TS)
        zsl = pl.ds(0, TS)
        vbase = c * 3 * T2
        pltpu.sync_copy(vtab_h.at[pl.ds(vbase + toff, TS)], tvx.at[tsl])
        pltpu.sync_copy(vtab_h.at[pl.ds(vbase + T2 + toff, TS)], tvy.at[tsl])
        pltpu.sync_copy(vtab_h.at[pl.ds(vbase + 2 * T2 + toff, TS)], tvz.at[tsl])
        pltpu.sync_copy(sr.at[zsl], ax.at[tsl])
        pltpu.sync_copy(sr.at[zsl], ay.at[tsl])
        pltpu.sync_copy(sr.at[zsl], az.at[tsl])
        pltpu.sync_copy(sr.at[zsl], ac.at[tsl])
        plsc.subcore_barrier()

        ibase = c * 3 * NPc + s * FPT
        one16 = jnp.ones((_L,), jnp.float32)

        def chunk(ch, _):
            coff = ibase + ch * CH
            pltpu.sync_copy(idx_h.at[pl.ds(coff, CH)], idxall.at[pl.ds(0, CH)])
            pltpu.sync_copy(idx_h.at[pl.ds(coff + NPc, CH)],
                            idxall.at[pl.ds(CH, CH)])
            pltpu.sync_copy(idx_h.at[pl.ds(coff + 2 * NPc, CH)],
                            idxall.at[pl.ds(2 * CH, CH)])

            def addsum(i, _):
                sl0 = pl.ds(i * _L, _L)
                sl1 = pl.ds(CH + i * _L, _L)
                sl2 = pl.ds(2 * CH + i * _L, _L)
                s16 = g[sl0] + g[sl1] + g[sl2]
                sr[sl0] = s16
                sr[sl1] = s16
                sr[sl2] = s16
                return 0

            pltpu.async_copy(tvx.at[idxall], g, sem_g).wait()
            lax.fori_loop(0, CH // _L, addsum, 0)
            sc_x = pltpu.async_copy(sr, ax.at[idxall], sem_s, add=True)

            g_y = pltpu.async_copy(tvy.at[idxall], g, sem_g)
            g_y.wait()
            sc_x.wait()
            lax.fori_loop(0, CH // _L, addsum, 0)
            sc_y = pltpu.async_copy(sr, ay.at[idxall], sem_s, add=True)

            g_z = pltpu.async_copy(tvz.at[idxall], g, sem_g)
            g_z.wait()
            sc_y.wait()
            lax.fori_loop(0, CH // _L, addsum, 0)
            sc_z = pltpu.async_copy(sr, az.at[idxall], sem_s, add=True)

            def fillo(i, _):
                g[pl.ds(i * _L, _L)] = one16
                return 0

            lax.fori_loop(0, C3 // _L, fillo, 0)
            sc_c = pltpu.async_copy(g, ac.at[idxall], sem_s, add=True)
            sc_z.wait()
            sc_c.wait()
            return 0

        lax.fori_loop(0, _NCH, chunk, 0)
        plsc.subcore_barrier()

        pbase = c * 4 * T2
        pltpu.sync_copy(ax.at[tsl], p_h.at[pl.ds(pbase + toff, TS)])
        pltpu.sync_copy(ay.at[tsl], p_h.at[pl.ds(pbase + T2 + toff, TS)])
        pltpu.sync_copy(az.at[tsl], p_h.at[pl.ds(pbase + 2 * T2 + toff, TS)])
        pltpu.sync_copy(ac.at[tsl], p_h.at[pl.ds(pbase + 3 * T2 + toff, TS)])

    return k(vtab, idx)


def _combine(p8, v6, T2):
    BLK = 14336

    def body(p_ref, v_ref, o_ref):
        p = p_ref[...]
        v = v_ref[...]
        cnt0 = p[3:4]
        cnt1 = p[7:8]
        o_ref[0:3, :] = (3.0 * cnt0 * v[0:3] - p[0:3]) / (2.0 * cnt0 + 1e-12)
        o_ref[3:6, :] = (3.0 * cnt1 * v[3:6] - p[4:7]) / (2.0 * cnt1 + 1e-12)

    return pl.pallas_call(
        body,
        grid=(T2 // BLK,),
        in_specs=[
            pl.BlockSpec((2 * 4, BLK), lambda i: (0, i)),
            pl.BlockSpec((6, BLK), lambda i: (0, i)),
        ],
        out_specs=pl.BlockSpec((6, BLK), lambda i: (0, i)),
        out_shape=jax.ShapeDtypeStruct((6, T2), jnp.float32),
    )(p8, v6)


def kernel(verts, faces):
    b, nv, d = verts.shape
    nf = faces.shape[1]
    n2 = b * nv // _NC
    spc = b * nf // _NC

    T2 = _round_up(n2 + 1, 2048)
    CH = _round_up(-(-spc // _NS), _NCH * _L) // _NCH

    v2 = verts.reshape(_NC, n2, d)
    vtab = jnp.pad(v2, ((0, 0), (0, T2 - n2), (0, 0))).transpose(0, 2, 1)

    NPc = _NS * _NCH * CH
    local_off = ((jnp.arange(b, dtype=faces.dtype) % (b // _NC)) * nv)
    f = (faces + local_off.reshape(-1, 1, 1)).reshape(_NC, spc, 3)
    f = jnp.pad(f, ((0, 0), (0, NPc - spc), (0, 0)), constant_values=n2)
    idx = f.transpose(0, 2, 1)

    p = _sc_accumulate(vtab.reshape(-1), idx.reshape(-1), T2, CH)
    xs = _combine(p.reshape(_NC * 4, T2), vtab.reshape(_NC * 3, T2), T2)
    return xs.reshape(_NC, 3, T2)[:, :, :n2].transpose(0, 2, 1).reshape(b, nv, d)

# --- scband reference (transcript-rebuilt; emitter-appended) ---
"""Pipeline reference for scband-uniform-laplacian-8461085573740 (READ-ONLY COPY).

The authoritative reference and input builder live on the scoring server;
editing this copy changes nothing except your own understanding.
"""

import jax, jax.numpy as jnp
import numpy as np

B, NV, NF, D = 4, 50000, 100000, 3


def setup_inputs(seed: int = 0) -> dict:
    key = jax.random.key(seed)
    k1, k2 = jax.random.split(key)
    verts = jax.random.normal(k1, (B, NV, D), dtype=jnp.float32)
    # faces: triangle vertex indices in [0, NV). int32 used (values < B*NV fit easily;
    # jax defaults to 32-bit ints without x64 flag).
    faces = jax.random.randint(k2, (B, NF, 3), 0, NV, dtype=jnp.int32)
    return {"verts": verts, "faces": faces}


def reference(verts, faces):
    b, nv, d = verts.shape
    v = verts.reshape(-1, d)
    # offset face indices per batch into the flattened [b*nv] vertex space
    offset = (jnp.arange(b, dtype=faces.dtype) * nv).reshape(-1, 1, 1)
    f = (faces + offset).reshape(-1, 3)
    # row = faces[:, [0,1,2]].reshape(-1); col = faces[:, [1,2,0]].reshape(-1)
    row = f.reshape(-1)
    col = f[:, jnp.array([1, 2, 0])].reshape(-1)
    n = b * nv
    # L (off-diagonal) has -1 at (row,col) and, after L = L.t() + L, also at (col,row),
    # with duplicate entries summed (COO semantics). Apply L_off @ v via scatter-add:
    Lx = jnp.zeros((n, d), dtype=verts.dtype)
    Lx = Lx.at[row].add(-v[col])
    Lx = Lx.at[col].add(-v[row])
    # Lii = -sparse.sum(L, dim=1): each -1 entry in row r contributes +1 to Lii[r]
    deg = jnp.zeros((n,), dtype=verts.dtype)
    deg = deg.at[row].add(1.0)
    deg = deg.at[col].add(1.0)
    # full L = L_off + diag(Lii); then normalize by Lii
    x = (Lx + deg[:, None] * v) / (deg[:, None] + 1e-12)
    return x.reshape(b, nv, d)

if __name__ == "__main__":
    import jax
    _d = setup_inputs()
    print(jax.jit(kernel)(*tuple(_d.values())))

</pallas_src>

<mosaic_0001>
#map = affine_map<(d0, d1) -> (0)>
module attributes {stable_mosaic.version = 14 : i64} {
  func.func @k(%arg0: i32, %arg1: i32, %arg2: memref<602112xf32, #tpu.memory_space<hbm>>, %arg3: memref<1201152xi32, #tpu.memory_space<hbm>>, %arg4: memref<802816xf32, #tpu.memory_space<hbm>>, %arg5: memref<18768xi32, #tpu.memory_space<vmem>>, %arg6: memref<18768xf32, #tpu.memory_space<vmem>>, %arg7: memref<18768xf32, #tpu.memory_space<vmem>>, %arg8: memref<100352xf32, #tpu.memory_space<vmem_shared>>, %arg9: memref<100352xf32, #tpu.memory_space<vmem_shared>>, %arg10: memref<100352xf32, #tpu.memory_space<vmem_shared>>, %arg11: memref<100352xf32, #tpu.memory_space<vmem_shared>>, %arg12: memref<100352xf32, #tpu.memory_space<vmem_shared>>, %arg13: memref<100352xf32, #tpu.memory_space<vmem_shared>>, %arg14: memref<100352xf32, #tpu.memory_space<vmem_shared>>, %arg15: memref<!tpu.dma_semaphore, #tpu.memory_space<semaphore_mem>>, %arg16: memref<!tpu.dma_semaphore, #tpu.memory_space<semaphore_mem>>) attributes {dimension_semantics = [#tpu.dimension_semantics<core_parallel>, #tpu.dimension_semantics<subcore_parallel>], iteration_bounds = array<i64: 2, 16>, scalar_prefetch = 0 : i64, scratch_operands = 12 : i64, tpu.core_type = #tpu.core_type<sc_vector_subcore>, window_params = [{transform_indices = #map}, {transform_indices = #map}, {transform_indices = #map}]} {
    %broadcast_in_dim3A = arith.constant 0.000000e+00 : f32
    %broadcast_in_dim3A_0 = vector.broadcast %broadcast_in_dim3A : f32 to vector<16xf32>
    %scan3A = arith.constant 0 : i32
    %scan3A_1 = arith.constant 0 : i32
    %scan3A_2 = arith.constant 392 : i32
    %scan3A_3 = arith.addi %scan3A_1, %scan3A_2 : i32
    %scan3A_4 = arith.constant 1 : i32
    %scan3A_5 = scf.for %scan3A_49 = %scan3A_1 to %scan3A_3 step %scan3A_4 iter_args(%scan3A_50 = %scan3A) -> (i32)  : i32 {
      %mul3A_51 = arith.constant 16 : i32
      %mul3A_52 = arith.muli %scan3A_49, %mul3A_51 : i32
      %swap3A = arith.index_cast %mul3A_52 : i32 to index
      %swap3A_53 = tpu.vector_load %arg7[%swap3A] {strides = array<i32>} : memref<18768xf32, #tpu.memory_space<vmem>>, vector<16xf32>,
      %swap3A_54 = vector.shape_cast %swap3A_53 : vector<16xf32> to vector<16xf32>
      %swap3A_55 = vector.shape_cast %broadcast_in_dim3A_0 : vector<16xf32> to vector<16xf32>
      tpu.vector_store %arg7[%swap3A], %swap3A_55 {strides = array<i32>} : memref<18768xf32, #tpu.memory_space<vmem>>, vector<16xf32>,
      %scan3A_56 = arith.constant 0 : i32
      scf.yield %scan3A_56 : i32
    }
    %scan3A_6 = arith.constant 392 : i32
    %mul3A = arith.constant 6272 : i32
    %mul3A_7 = arith.muli %arg1, %mul3A : i32
    %mul3A_8 = arith.constant 3 : i32
    %mul3A_9 = arith.muli %arg0, %mul3A_8 : i32
    %mul3A_10 = arith.constant 100352 : i32
    %mul3A_11 = arith.muli %mul3A_9, %mul3A_10 : i32
    %add3A = arith.addi %mul3A_11, %mul3A_7 : i32
    "tpu.region"() ({
      %run_scoped3A = tpu.sem_alloc : memref<!tpu.dma_semaphore, #tpu.memory_space<semaphore_mem>>
      %dma_start3A = tpu.memref_slice %arg8[%mul3A_7] : memref<100352xf32, #tpu.memory_space<vmem_shared>> -> memref<6272xf32, #tpu.memory_space<vmem_shared>>
      %dma_start3A_49 = tpu.memref_slice %arg2[%add3A] : memref<602112xf32, #tpu.memory_space<hbm>> -> memref<6272xf32, #tpu.memory_space<hbm>>
      tpu.enqueue_dma source(%dma_start3A_49 : memref<6272xf32, #tpu.memory_space<hbm>>) target(%dma_start3A : memref<6272xf32, #tpu.memory_space<vmem_shared>>) target_semaphore(%run_scoped3A : memref<!tpu.dma_semaphore, #tpu.memory_space<semaphore_mem>>)
      %dma_wait3A = tpu.memref_slice %arg8[%mul3A_7] : memref<100352xf32, #tpu.memory_space<vmem_shared>> -> memref<6272xf32, #tpu.memory_space<vmem_shared>>
      %dma_wait3A_50 = tpu.memref_slice %arg2[%add3A] : memref<602112xf32, #tpu.memory_space<hbm>> -> memref<6272xf32, #tpu.memory_space<hbm>>
      tpu.wait_dma2 semaphore(%run_scoped3A : memref<!tpu.dma_semaphore, #tpu.memory_space<semaphore_mem>>) src(%dma_wait3A_50 : memref<6272xf32, #tpu.memory_space<hbm>>) dst(%dma_wait3A : memref<6272xf32, #tpu.memory_space<vmem_shared>>)
      tpu.yield
    }) : () -> ()
    %add3A_12 = arith.constant 100352 : i32
    %add3A_13 = arith.addi %mul3A_11, %add3A_12 : i32
    %add3A_14 = arith.addi %add3A_13, %mul3A_7 : i32
    "tpu.region"() ({
      %run_scoped3A = tpu.sem_alloc : memref<!tpu.dma_semaphore, #tpu.memory_space<semaphore_mem>>
      %dma_start3A = tpu.memref_slice %arg9[%mul3A_7] : memref<100352xf32, #tpu.memory_space<vmem_shared>> -> memref<6272xf32, #tpu.memory_space<vmem_shared>>
      %dma_start3A_49 = tpu.memref_slice %arg2[%add3A_14] : memref<602112xf32, #tpu.memory_space<hbm>> -> memref<6272xf32, #tpu.memory_space<hbm>>
      tpu.enqueue_dma source(%dma_start3A_49 : memref<6272xf32, #tpu.memory_space<hbm>>) target(%dma_start3A : memref<6272xf32, #tpu.memory_space<vmem_shared>>) target_semaphore(%run_scoped3A : memref<!tpu.dma_semaphore, #tpu.memory_space<semaphore_mem>>)
      %dma_wait3A = tpu.memref_slice %arg9[%mul3A_7] : memref<100352xf32, #tpu.memory_space<vmem_shared>> -> memref<6272xf32, #tpu.memory_space<vmem_shared>>
      %dma_wait3A_50 = tpu.memref_slice %arg2[%add3A_14] : memref<602112xf32, #tpu.memory_space<hbm>> -> memref<6272xf32, #tpu.memory_space<hbm>>
      tpu.wait_dma2 semaphore(%run_scoped3A : memref<!tpu.dma_semaphore, #tpu.memory_space<semaphore_mem>>) src(%dma_wait3A_50 : memref<6272xf32, #tpu.memory_space<hbm>>) dst(%dma_wait3A : memref<6272xf32, #tpu.memory_space<vmem_shared>>)
      tpu.yield
    }) : () -> ()
    %add3A_15 = arith.constant 200704 : i32
    %add3A_16 = arith.addi %mul3A_11, %add3A_15 : i32
    %add3A_17 = arith.addi %add3A_16, %mul3A_7 : i32
    "tpu.region"() ({
      %run_scoped3A = tpu.sem_alloc : memref<!tpu.dma_semaphore, #tpu.memory_space<semaphore_mem>>
      %dma_start3A = tpu.memref_slice %arg10[%mul3A_7] : memref<100352xf32, #tpu.memory_space<vmem_shared>> -> memref<6272xf32, #tpu.memory_space<vmem_shared>>
      %dma_start3A_49 = tpu.memref_slice %arg2[%add3A_17] : memref<602112xf32, #tpu.memory_space<hbm>> -> memref<6272xf32, #tpu.memory_space<hbm>>
      tpu.enqueue_dma source(%dma_start3A_49 : memref<6272xf32, #tpu.memory_space<hbm>>) target(%dma_start3A : memref<6272xf32, #tpu.memory_space<vmem_shared>>) target_semaphore(%run_scoped3A : memref<!tpu.dma_semaphore, #tpu.memory_space<semaphore_mem>>)
      %dma_wait3A = tpu.memref_slice %arg10[%mul3A_7] : memref<100352xf32, #tpu.memory_space<vmem_shared>> -> memref<6272xf32, #tpu.memory_space<vmem_shared>>
      %dma_wait3A_50 = tpu.memref_slice %arg2[%add3A_17] : memref<602112xf32, #tpu.memory_space<hbm>> -> memref<6272xf32, #tpu.memory_space<hbm>>
      tpu.wait_dma2 semaphore(%run_scoped3A : memref<!tpu.dma_semaphore, #tpu.memory_space<semaphore_mem>>) src(%dma_wait3A_50 : memref<6272xf32, #tpu.memory_space<hbm>>) dst(%dma_wait3A : memref<6272xf32, #tpu.memory_space<vmem_shared>>)
      tpu.yield
    }) : () -> ()
    "tpu.region"() ({
      %run_scoped3A = tpu.sem_alloc : memref<!tpu.dma_semaphore, #tpu.memory_space<semaphore_mem>>
      %dma_start3A = arith.constant 0 : i32
      %dma_start3A_49 = tpu.memref_slice %arg7[%dma_start3A] : memref<18768xf32, #tpu.memory_space<vmem>> -> memref<6272xf32, #tpu.memory_space<vmem>>
      %dma_start3A_50 = tpu.memref_slice %arg11[%mul3A_7] : memref<100352xf32, #tpu.memory_space<vmem_shared>> -> memref<6272xf32, #tpu.memory_space<vmem_shared>>
      %dma_start3A_51 = tpu.memref_slice %arg11[%mul3A_7] : memref<100352xf32, #tpu.memory_space<vmem_shared>> -> memref<6272xf32, #tpu.memory_space<vmem_shared>>
      %dma_start3A_52 = arith.constant 0 : i32
      %dma_start3A_53 = tpu.memref_slice %arg7[%dma_start3A_52] : memref<18768xf32, #tpu.memory_space<vmem>> -> memref<6272xf32, #tpu.memory_space<vmem>>
      tpu.enqueue_dma source(%dma_start3A_53 : memref<6272xf32, #tpu.memory_space<vmem>>) target(%dma_start3A_51 : memref<6272xf32, #tpu.memory_space<vmem_shared>>) target_semaphore(%run_scoped3A : memref<!tpu.dma_semaphore, #tpu.memory_space<semaphore_mem>>)
      %dma_wait3A = arith.constant 0 : i32
      %dma_wait3A_54 = tpu.memref_slice %arg7[%dma_wait3A] : memref<18768xf32, #tpu.memory_space<vmem>> -> memref<6272xf32, #tpu.memory_space<vmem>>
      %dma_wait3A_55 = tpu.memref_slice %arg11[%mul3A_7] : memref<100352xf32, #tpu.memory_space<vmem_shared>> -> memref<6272xf32, #tpu.memory_space<vmem_shared>>
      %dma_wait3A_56 = tpu.memref_slice %arg11[%mul3A_7] : memref<100352xf32, #tpu.memory_space<vmem_shared>> -> memref<6272xf32, #tpu.memory_space<vmem_shared>>
      %dma_wait3A_57 = arith.constant 0 : i32
      %dma_wait3A_58 = tpu.memref_slice %arg7[%dma_wait3A_57] : memref<18768xf32, #tpu.memory_space<vmem>> -> memref<6272xf32, #tpu.memory_space<vmem>>
      tpu.wait_dma2 semaphore(%run_scoped3A : memref<!tpu.dma_semaphore, #tpu.memory_space<semaphore_mem>>) src(%dma_wait3A_58 : memref<6272xf32, #tpu.memory_space<vmem>>) dst(%dma_wait3A_56 : memref<6272xf32, #tpu.memory_space<vmem_shared>>)
      tpu.yield
    }) : () -> ()
    "tpu.region"() ({
      %run_scoped3A = tpu.sem_alloc : memref<!tpu.dma_semaphore, #tpu.memory_space<semaphore_mem>>
      %dma_start3A = arith.constant 0 : i32
      %dma_start3A_49 = tpu.memref_slice %arg7[%dma_start3A] : memref<18768xf32, #tpu.memory_space<vmem>> -> memref<6272xf32, #tpu.memory_space<vmem>>
      %dma_start3A_50 = tpu.memref_slice %arg12[%mul3A_7] : memref<100352xf32, #tpu.memory_space<vmem_shared>> -> memref<6272xf32, #tpu.memory_space<vmem_shared>>
      %dma_start3A_51 = tpu.memref_slice %arg12[%mul3A_7] : memref<100352xf32, #tpu.memory_space<vmem_shared>> -> memref<6272xf32, #tpu.memory_space<vmem_shared>>
      %dma_start3A_52 = arith.constant 0 : i32
      %dma_start3A_53 = tpu.memref_slice %arg7[%dma_start3A_52] : memref<18768xf32, #tpu.memory_space<vmem>> -> memref<6272xf32, #tpu.memory_space<vmem>>
      tpu.enqueue_dma source(%dma_start3A_53 : memref<6272xf32, #tpu.memory_space<vmem>>) target(%dma_start3A_51 : memref<6272xf32, #tpu.memory_space<vmem_shared>>) target_semaphore(%run_scoped3A : memref<!tpu.dma_semaphore, #tpu.memory_space<semaphore_mem>>)
      %dma_wait3A = arith.constant 0 : i32
      %dma_wait3A_54 = tpu.memref_slice %arg7[%dma_wait3A] : memref<18768xf32, #tpu.memory_space<vmem>> -> memref<6272xf32, #tpu.memory_space<vmem>>
      %dma_wait3A_55 = tpu.memref_slice %arg12[%mul3A_7] : memref<100352xf32, #tpu.memory_space<vmem_shared>> -> memref<6272xf32, #tpu.memory_space<vmem_shared>>
      %dma_wait3A_56 = tpu.memref_slice %arg12[%mul3A_7] : memref<100352xf32, #tpu.memory_space<vmem_shared>> -> memref<6272xf32, #tpu.memory_space<vmem_shared>>
      %dma_wait3A_57 = arith.constant 0 : i32
      %dma_wait3A_58 = tpu.memref_slice %arg7[%dma_wait3A_57] : memref<18768xf32, #tpu.memory_space<vmem>> -> memref<6272xf32, #tpu.memory_space<vmem>>
      tpu.wait_dma2 semaphore(%run_scoped3A : memref<!tpu.dma_semaphore, #tpu.memory_space<semaphore_mem>>) src(%dma_wait3A_58 : memref<6272xf32, #tpu.memory_space<vmem>>) dst(%dma_wait3A_56 : memref<6272xf32, #tpu.memory_space<vmem_shared>>)
      tpu.yield
    }) : () -> ()
    "tpu.region"() ({
      %run_scoped3A = tpu.sem_alloc : memref<!tpu.dma_semaphore, #tpu.memory_space<semaphore_mem>>
      %dma_start3A = arith.constant 0 : i32
      %dma_start3A_49 = tpu.memref_slice %arg7[%dma_start3A] : memref<18768xf32, #tpu.memory_space<vmem>> -> memref<6272xf32, #tpu.memory_space<vmem>>
      %dma_start3A_50 = tpu.memref_slice %arg13[%mul3A_7] : memref<100352xf32, #tpu.memory_space<vmem_shared>> -> memref<6272xf32, #tpu.memory_space<vmem_shared>>
      %dma_start3A_51 = tpu.memref_slice %arg13[%mul3A_7] : memref<100352xf32, #tpu.memory_space<vmem_shared>> -> memref<6272xf32, #tpu.memory_space<vmem_shared>>
      %dma_start3A_52 = arith.constant 0 : i32
      %dma_start3A_53 = tpu.memref_slice %arg7[%dma_start3A_52] : memref<18768xf32, #tpu.memory_space<vmem>> -> memref<6272xf32, #tpu.memory_space<vmem>>
      tpu.enqueue_dma source(%dma_start3A_53 : memref<6272xf32, #tpu.memory_space<vmem>>) target(%dma_start3A_51 : memref<6272xf32, #tpu.memory_space<vmem_shared>>) target_semaphore(%run_scoped3A : memref<!tpu.dma_semaphore, #tpu.memory_space<semaphore_mem>>)
      %dma_wait3A = arith.constant 0 : i32
      %dma_wait3A_54 = tpu.memref_slice %arg7[%dma_wait3A] : memref<18768xf32, #tpu.memory_space<vmem>> -> memref<6272xf32, #tpu.memory_space<vmem>>
      %dma_wait3A_55 = tpu.memref_slice %arg13[%mul3A_7] : memref<100352xf32, #tpu.memory_space<vmem_shared>> -> memref<6272xf32, #tpu.memory_space<vmem_shared>>
      %dma_wait3A_56 = tpu.memref_slice %arg13[%mul3A_7] : memref<100352xf32, #tpu.memory_space<vmem_shared>> -> memref<6272xf32, #tpu.memory_space<vmem_shared>>
      %dma_wait3A_57 = arith.constant 0 : i32
      %dma_wait3A_58 = tpu.memref_slice %arg7[%dma_wait3A_57] : memref<18768xf32, #tpu.memory_space<vmem>> -> memref<6272xf32, #tpu.memory_space<vmem>>
      tpu.wait_dma2 semaphore(%run_scoped3A : memref<!tpu.dma_semaphore, #tpu.memory_space<semaphore_mem>>) src(%dma_wait3A_58 : memref<6272xf32, #tpu.memory_space<vmem>>) dst(%dma_wait3A_56 : memref<6272xf32, #tpu.memory_space<vmem_shared>>)
      tpu.yield
    }) : () -> ()
    "tpu.region"() ({
      %run_scoped3A = tpu.sem_alloc : memref<!tpu.dma_semaphore, #tpu.memory_space<semaphore_mem>>
      %dma_start3A = arith.constant 0 : i32
      %dma_start3A_49 = tpu.memref_slice %arg7[%dma_start3A] : memref<18768xf32, #tpu.memory_space<vmem>> -> memref<6272xf32, #tpu.memory_space<vmem>>
      %dma_start3A_50 = tpu.memref_slice %arg14[%mul3A_7] : memref<100352xf32, #tpu.memory_space<vmem_shared>> -> memref<6272xf32, #tpu.memory_space<vmem_shared>>
      %dma_start3A_51 = tpu.memref_slice %arg14[%mul3A_7] : memref<100352xf32, #tpu.memory_space<vmem_shared>> -> memref<6272xf32, #tpu.memory_space<vmem_shared>>
      %dma_start3A_52 = arith.constant 0 : i32
      %dma_start3A_53 = tpu.memref_slice %arg7[%dma_start3A_52] : memref<18768xf32, #tpu.memory_space<vmem>> -> memref<6272xf32, #tpu.memory_space<vmem>>
      tpu.enqueue_dma source(%dma_start3A_53 : memref<6272xf32, #tpu.memory_space<vmem>>) target(%dma_start3A_51 : memref<6272xf32, #tpu.memory_space<vmem_shared>>) target_semaphore(%run_scoped3A : memref<!tpu.dma_semaphore, #tpu.memory_space<semaphore_mem>>)
      %dma_wait3A = arith.constant 0 : i32
      %dma_wait3A_54 = tpu.memref_slice %arg7[%dma_wait3A] : memref<18768xf32, #tpu.memory_space<vmem>> -> memref<6272xf32, #tpu.memory_space<vmem>>
      %dma_wait3A_55 = tpu.memref_slice %arg14[%mul3A_7] : memref<100352xf32, #tpu.memory_space<vmem_shared>> -> memref<6272xf32, #tpu.memory_space<vmem_shared>>
      %dma_wait3A_56 = tpu.memref_slice %arg14[%mul3A_7] : memref<100352xf32, #tpu.memory_space<vmem_shared>> -> memref<6272xf32, #tpu.memory_space<vmem_shared>>
      %dma_wait3A_57 = arith.constant 0 : i32
      %dma_wait3A_58 = tpu.memref_slice %arg7[%dma_wait3A_57] : memref<18768xf32, #tpu.memory_space<vmem>> -> memref<6272xf32, #tpu.memory_space<vmem>>
      tpu.wait_dma2 semaphore(%run_scoped3A : memref<!tpu.dma_semaphore, #tpu.memory_space<semaphore_mem>>) src(%dma_wait3A_58 : memref<6272xf32, #tpu.memory_space<vmem>>) dst(%dma_wait3A_56 : memref<6272xf32, #tpu.memory_space<vmem_shared>>)
      tpu.yield
    }) : () -> ()
    %barrier3A = arith.constant 0 : index
    tpu.barrier barrier_id(%barrier3A)
    %mul3A_18 = arith.constant 3 : i32
    %mul3A_19 = arith.muli %arg0, %mul3A_18 : i32
    %mul3A_20 = arith.constant 200192 : i32
    %mul3A_21 = arith.muli %mul3A_19, %mul3A_20 : i32
    %mul3A_22 = arith.constant 12512 : i32
    %mul3A_23 = arith.muli %arg1, %mul3A_22 : i32
    %add3A_24 = arith.addi %mul3A_21, %mul3A_23 : i32
    %broadcast_in_dim3A_25 = arith.constant 1.000000e+00 : f32
    %broadcast_in_dim3A_26 = vector.broadcast %broadcast_in_dim3A_25 : f32 to vector<16xf32>
    %scan3A_27 = arith.constant 0 : i32
    %scan3A_28 = arith.constant 0 : i32
    %scan3A_29 = arith.constant 2 : i32
    %scan3A_30 = arith.addi %scan3A_28, %scan3A_29 : i32
    %scan3A_31 = arith.constant 1 : i32
    %scan3A_32 = scf.for %scan3A_49 = %scan3A_28 to %scan3A_30 step %scan3A_31 iter_args(%scan3A_50 = %scan3A_27) -> (i32)  : i32 {
      %mul3A_51 = arith.constant 6256 : i32
      %mul3A_52 = arith.muli %scan3A_49, %mul3A_51 : i32
      %add3A_53 = arith.addi %add3A_24, %mul3A_52 : i32
      "tpu.region"() ({
        %run_scoped3A = tpu.sem_alloc : memref<!tpu.dma_semaphore, #tpu.memory_space<semaphore_mem>>
        %dma_start3A_113 = arith.constant 0 : i32
        %dma_start3A_114 = tpu.memref_slice %arg5[%dma_start3A_113] : memref<18768xi32, #tpu.memory_space<vmem>> -> memref<6256xi32, #tpu.memory_space<vmem>>
        %dma_start3A_115 = tpu.memref_slice %arg3[%add3A_53] : memref<1201152xi32, #tpu.memory_space<hbm>> -> memref<6256xi32, #tpu.memory_space<hbm>>
        %dma_start3A_116 = arith.constant 0 : i32
        %dma_start3A_117 = tpu.memref_slice %arg5[%dma_start3A_116] : memref<18768xi32, #tpu.memory_space<vmem>> -> memref<6256xi32, #tpu.memory_space<vmem>>
        %dma_start3A_118 = tpu.memref_slice %arg3[%add3A_53] : memref<1201152xi32, #tpu.memory_space<hbm>> -> memref<6256xi32, #tpu.memory_space<hbm>>
        tpu.enqueue_dma source(%dma_start3A_118 : memref<6256xi32, #tpu.memory_space<hbm>>) target(%dma_start3A_117 : memref<6256xi32, #tpu.memory_space<vmem>>) target_semaphore(%run_scoped3A : memref<!tpu.dma_semaphore, #tpu.memory_space<semaphore_mem>>)
        %dma_wait3A_119 = arith.constant 0 : i32
        %dma_wait3A_120 = tpu.memref_slice %arg5[%dma_wait3A_119] : memref<18768xi32, #tpu.memory_space<vmem>> -> memref<6256xi32, #tpu.memory_space<vmem>>
        %dma_wait3A_121 = tpu.memref_slice %arg3[%add3A_53] : memref<1201152xi32, #tpu.memory_space<hbm>> -> memref<6256xi32, #tpu.memory_space<hbm>>
        %dma_wait3A_122 = arith.constant 0 : i32
        %dma_wait3A_123 = tpu.memref_slice %arg5[%dma_wait3A_122] : memref<18768xi32, #tpu.memory_space<vmem>> -> memref<6256xi32, #tpu.memory_space<vmem>>
        %dma_wait3A_124 = tpu.memref_slice %arg3[%add3A_53] : memref<1201152xi32, #tpu.memory_space<hbm>> -> memref<6256xi32, #tpu.memory_space<hbm>>
        tpu.wait_dma2 semaphore(%run_scoped3A : memref<!tpu.dma_semaphore, #tpu.memory_space<semaphore_mem>>) src(%dma_wait3A_124 : memref<6256xi32, #tpu.memory_space<hbm>>) dst(%dma_wait3A_123 : memref<6256xi32, #tpu.memory_space<vmem>>)
        tpu.yield
      }) : () -> ()
      %add3A_54 = arith.constant 200192 : i32
      %add3A_55 = arith.addi %add3A_53, %add3A_54 : i32
      "tpu.region"() ({
        %run_scoped3A = tpu.sem_alloc : memref<!tpu.dma_semaphore, #tpu.memory_space<semaphore_mem>>
        %dma_start3A_113 = arith.constant 6256 : i32
        %dma_start3A_114 = tpu.memref_slice %arg5[%dma_start3A_113] : memref<18768xi32, #tpu.memory_space<vmem>> -> memref<6256xi32, #tpu.memory_space<vmem>>
        %dma_start3A_115 = tpu.memref_slice %arg3[%add3A_55] : memref<1201152xi32, #tpu.memory_space<hbm>> -> memref<6256xi32, #tpu.memory_space<hbm>>
        %dma_start3A_116 = arith.constant 6256 : i32
        %dma_start3A_117 = tpu.memref_slice %arg5[%dma_start3A_116] : memref<18768xi32, #tpu.memory_space<vmem>> -> memref<6256xi32, #tpu.memory_space<vmem>>
        %dma_start3A_118 = tpu.memref_slice %arg3[%add3A_55] : memref<1201152xi32, #tpu.memory_space<hbm>> -> memref<6256xi32, #tpu.memory_space<hbm>>
        tpu.enqueue_dma source(%dma_start3A_118 : memref<6256xi32, #tpu.memory_space<hbm>>) target(%dma_start3A_117 : memref<6256xi32, #tpu.memory_space<vmem>>) target_semaphore(%run_scoped3A : memref<!tpu.dma_semaphore, #tpu.memory_space<semaphore_mem>>)
        %dma_wait3A_119 = arith.constant 6256 : i32
        %dma_wait3A_120 = tpu.memref_slice %arg5[%dma_wait3A_119] : memref<18768xi32, #tpu.memory_space<vmem>> -> memref<6256xi32, #tpu.memory_space<vmem>>
        %dma_wait3A_121 = tpu.memref_slice %arg3[%add3A_55] : memref<1201152xi32, #tpu.memory_space<hbm>> -> memref<6256xi32, #tpu.memory_space<hbm>>
        %dma_wait3A_122 = arith.constant 6256 : i32
        %dma_wait3A_123 = tpu.memref_slice %arg5[%dma_wait3A_122] : memref<18768xi32, #tpu.memory_space<vmem>> -> memref<6256xi32, #tpu.memory_space<vmem>>
        %dma_wait3A_124 = tpu.memref_slice %arg3[%add3A_55] : memref<1201152xi32, #tpu.memory_space<hbm>> -> memref<6256xi32, #tpu.memory_space<hbm>>
        tpu.wait_dma2 semaphore(%run_scoped3A : memref<!tpu.dma_semaphore, #tpu.memory_space<semaphore_mem>>) src(%dma_wait3A_124 : memref<6256xi32, #tpu.memory_space<hbm>>) dst(%dma_wait3A_123 : memref<6256xi32, #tpu.memory_space<vmem>>)
        tpu.yield
      }) : () -> ()
      %add3A_56 = arith.constant 400384 : i32
      %add3A_57 = arith.addi %add3A_53, %add3A_56 : i32
      "tpu.region"() ({
        %run_scoped3A = tpu.sem_alloc : memref<!tpu.dma_semaphore, #tpu.memory_space<semaphore_mem>>
        %dma_start3A_113 = arith.constant 12512 : i32
        %dma_start3A_114 = tpu.memref_slice %arg5[%dma_start3A_113] : memref<18768xi32, #tpu.memory_space<vmem>> -> memref<6256xi32, #tpu.memory_space<vmem>>
        %dma_start3A_115 = tpu.memref_slice %arg3[%add3A_57] : memref<1201152xi32, #tpu.memory_space<hbm>> -> memref<6256xi32, #tpu.memory_space<hbm>>
        %dma_start3A_116 = arith.constant 12512 : i32
        %dma_start3A_117 = tpu.memref_slice %arg5[%dma_start3A_116] : memref<18768xi32, #tpu.memory_space<vmem>> -> memref<6256xi32, #tpu.memory_space<vmem>>
        %dma_start3A_118 = tpu.memref_slice %arg3[%add3A_57] : memref<1201152xi32, #tpu.memory_space<hbm>> -> memref<6256xi32, #tpu.memory_space<hbm>>
        tpu.enqueue_dma source(%dma_start3A_118 : memref<6256xi32, #tpu.memory_space<hbm>>) target(%dma_start3A_117 : memref<6256xi32, #tpu.memory_space<vmem>>) target_semaphore(%run_scoped3A : memref<!tpu.dma_semaphore, #tpu.memory_space<semaphore_mem>>)
        %dma_wait3A_119 = arith.constant 12512 : i32
        %dma_wait3A_120 = tpu.memref_slice %arg5[%dma_wait3A_119] : memref<18768xi32, #tpu.memory_space<vmem>> -> memref<6256xi32, #tpu.memory_space<vmem>>
        %dma_wait3A_121 = tpu.memref_slice %arg3[%add3A_57] : memref<1201152xi32, #tpu.memory_space<hbm>> -> memref<6256xi32, #tpu.memory_space<hbm>>
        %dma_wait3A_122 = arith.constant 12512 : i32
        %dma_wait3A_123 = tpu.memref_slice %arg5[%dma_wait3A_122] : memref<18768xi32, #tpu.memory_space<vmem>> -> memref<6256xi32, #tpu.memory_space<vmem>>
        %dma_wait3A_124 = tpu.memref_slice %arg3[%add3A_57] : memref<1201152xi32, #tpu.memory_space<hbm>> -> memref<6256xi32, #tpu.memory_space<hbm>>
        tpu.wait_dma2 semaphore(%run_scoped3A : memref<!tpu.dma_semaphore, #tpu.memory_space<semaphore_mem>>) src(%dma_wait3A_124 : memref<6256xi32, #tpu.memory_space<hbm>>) dst(%dma_wait3A_123 : memref<6256xi32, #tpu.memory_space<vmem>>)
        tpu.yield
      }) : () -> ()
      %dma_start3A = arith.constant 0 : i32
      %dma_start3A_58 = tpu.memref_slice %arg8[%dma_start3A] : memref<100352xf32, #tpu.memory_space<vmem_shared>> -> memref<100352xf32, #tpu.memory_space<vmem_shared>>
      tpu.enqueue_indirect_dma source(%dma_start3A_58 : memref<100352xf32, #tpu.memory_space<vmem_shared>>) target(%arg6 : memref<18768xf32, #tpu.memory_space<vmem>>) offsets(%arg5 : memref<18768xi32, #tpu.memory_space<vmem>>) semaphore(%arg15 : memref<!tpu.dma_semaphore, #tpu.memory_space<semaphore_mem>>)
      %dma_wait3A = arith.constant 0 : i32
      %dma_wait3A_59 = tpu.memref_slice %arg8[%dma_wait3A] : memref<100352xf32, #tpu.memory_space<vmem_shared>> -> memref<100352xf32, #tpu.memory_space<vmem_shared>>
      tpu.wait_indirect_dma semaphore(%arg15 : memref<!tpu.dma_semaphore, #tpu.memory_space<semaphore_mem>>) src(%dma_wait3A_59 : memref<100352xf32, #tpu.memory_space<vmem_shared>>) dst(%arg6 : memref<18768xf32, #tpu.memory_space<vmem>>)
      %scan3A_60 = arith.constant 0 : i32
      %scan3A_61 = arith.constant 0 : i32
      %scan3A_62 = arith.constant 391 : i32
      %scan3A_63 = arith.addi %scan3A_61, %scan3A_62 : i32
      %scan3A_64 = arith.constant 1 : i32
      %scan3A_65 = scf.for %scan3A_113 = %scan3A_61 to %scan3A_63 step %scan3A_64 iter_args(%scan3A_114 = %scan3A_60) -> (i32)  : i32 {
        %mul3A_115 = arith.constant 16 : i32
        %mul3A_116 = arith.muli %scan3A_113, %mul3A_115 : i32
        %mul3A_117 = arith.constant 16 : i32
        %mul3A_118 = arith.muli %scan3A_113, %mul3A_117 : i32
        %add3A_119 = arith.constant 6256 : i32
        %add3A_120 = arith.addi %add3A_119, %mul3A_118 : i32
        %mul3A_121 = arith.constant 16 : i32
        %mul3A_122 = arith.muli %scan3A_113, %mul3A_121 : i32
        %add3A_123 = arith.constant 12512 : i32
        %add3A_124 = arith.addi %add3A_123, %mul3A_122 : i32
        %get3A = arith.index_cast %mul3A_116 : i32 to index
        %get3A_125 = tpu.vector_load %arg6[%get3A] {strides = array<i32>} : memref<18768xf32, #tpu.memory_space<vmem>>, vector<16xf32>,
        %get3A_126 = vector.shape_cast %get3A_125 : vector<16xf32> to vector<16xf32>
        %get3A_127 = arith.index_cast %add3A_120 : i32 to index
        %get3A_128 = tpu.vector_load %arg6[%get3A_127] {strides = array<i32>} : memref<18768xf32, #tpu.memory_space<vmem>>, vector<16xf32>,
        %get3A_129 = vector.shape_cast %get3A_128 : vector<16xf32> to vector<16xf32>
        %add3A_130 = arith.addf %get3A_126, %get3A_129 : vector<16xf32>
        %get3A_131 = arith.index_cast %add3A_124 : i32 to index
        %get3A_132 = tpu.vector_load %arg6[%get3A_131] {strides = array<i32>} : memref<18768xf32, #tpu.memory_space<vmem>>, vector<16xf32>,
        %get3A_133 = vector.shape_cast %get3A_132 : vector<16xf32> to vector<16xf32>
        %add3A_134 = arith.addf %add3A_130, %get3A_133 : vector<16xf32>
        %swap3A = arith.index_cast %mul3A_116 : i32 to index
        %swap3A_135 = tpu.vector_load %arg7[%swap3A] {strides = array<i32>} : memref<18768xf32, #tpu.memory_space<vmem>>, vector<16xf32>,
        %swap3A_136 = vector.shape_cast %swap3A_135 : vector<16xf32> to vector<16xf32>
        %swap3A_137 = vector.shape_cast %add3A_134 : vector<16xf32> to vector<16xf32>
        tpu.vector_store %arg7[%swap3A], %swap3A_137 {strides = array<i32>} : memref<18768xf32, #tpu.memory_space<vmem>>, vector<16xf32>,
        %swap3A_138 = arith.index_cast %add3A_120 : i32 to index
        %swap3A_139 = tpu.vector_load %arg7[%swap3A_138] {strides = array<i32>} : memref<18768xf32, #tpu.memory_space<vmem>>, vector<16xf32>,
        %swap3A_140 = vector.shape_cast %swap3A_139 : vector<16xf32> to vector<16xf32>
        %swap3A_141 = vector.shape_cast %add3A_134 : vector<16xf32> to vector<16xf32>
        tpu.vector_store %arg7[%swap3A_138], %swap3A_141 {strides = array<i32>} : memref<18768xf32, #tpu.memory_space<vmem>>, vector<16xf32>,
        %swap3A_142 = arith.index_cast %add3A_124 : i32 to index
        %swap3A_143 = tpu.vector_load %arg7[%swap3A_142] {strides = array<i32>} : memref<18768xf32, #tpu.memory_space<vmem>>, vector<16xf32>,
        %swap3A_144 = vector.shape_cast %swap3A_143 : vector<16xf32> to vector<16xf32>
        %swap3A_145 = vector.shape_cast %add3A_134 : vector<16xf32> to vector<16xf32>
        tpu.vector_store %arg7[%swap3A_142], %swap3A_145 {strides = array<i32>} : memref<18768xf32, #tpu.memory_space<vmem>>, vector<16xf32>,
        %scan3A_146 = arith.constant 0 : i32
        scf.yield %scan3A_146 : i32
      }
      %scan3A_66 = arith.constant 391 : i32
      %dma_start3A_67 = arith.constant 0 : i32
      %dma_start3A_68 = tpu.memref_slice %arg11[%dma_start3A_67] : memref<100352xf32, #tpu.memory_space<vmem_shared>> -> memref<100352xf32, #tpu.memory_space<vmem_shared>>
      tpu.enqueue_indirect_dma source(%arg7 : memref<18768xf32, #tpu.memory_space<vmem>>) target(%dma_start3A_68 : memref<100352xf32, #tpu.memory_space<vmem_shared>>) offsets(%arg5 : memref<18768xi32, #tpu.memory_space<vmem>>) semaphore(%arg16 : memref<!tpu.dma_semaphore, #tpu.memory_space<semaphore_mem>>) {add = true}
      %dma_start3A_69 = arith.constant 0 : i32
      %dma_start3A_70 = tpu.memref_slice %arg9[%dma_start3A_69] : memref<100352xf32, #tpu.memory_space<vmem_shared>> -> memref<100352xf32, #tpu.memory_space<vmem_shared>>
      tpu.enqueue_indirect_dma source(%dma_start3A_70 : memref<100352xf32, #tpu.memory_space<vmem_shared>>) target(%arg6 : memref<18768xf32, #tpu.memory_space<vmem>>) offsets(%arg5 : memref<18768xi32, #tpu.memory_space<vmem>>) semaphore(%arg15 : memref<!tpu.dma_semaphore, #tpu.memory_space<semaphore_mem>>)
      %dma_wait3A_71 = arith.constant 0 : i32
      %dma_wait3A_72 = tpu.memref_slice %arg9[%dma_wait3A_71] : memref<100352xf32, #tpu.memory_space<vmem_shared>> -> memref<100352xf32, #tpu.memory_space<vmem_shared>>
      tpu.wait_indirect_dma semaphore(%arg15 : memref<!tpu.dma_semaphore, #tpu.memory_space<semaphore_mem>>) src(%dma_wait3A_72 : memref<100352xf32, #tpu.memory_space<vmem_shared>>) dst(%arg6 : memref<18768xf32, #tpu.memory_space<vmem>>)
      %dma_wait3A_73 = arith.constant 0 : i32
      %dma_wait3A_74 = tpu.memref_slice %arg11[%dma_wait3A_73] : memref<100352xf32, #tpu.memory_space<vmem_shared>> -> memref<100352xf32, #tpu.memory_space<vmem_shared>>
      tpu.wait_indirect_dma semaphore(%arg16 : memref<!tpu.dma_semaphore, #tpu.memory_space<semaphore_mem>>) src(%arg7 : memref<18768xf32, #tpu.memory_space<vmem>>) dst(%dma_wait3A_74 : memref<100352xf32, #tpu.memory_space<vmem_shared>>)
      %scan3A_75 = arith.constant 0 : i32
      %scan3A_76 = arith.constant 0 : i32
      %scan3A_77 = arith.constant 391 : i32
      %scan3A_78 = arith.addi %scan3A_76, %scan3A_77 : i32
      %scan3A_79 = arith.constant 1 : i32
      %scan3A_80 = scf.for %scan3A_113 = %scan3A_76 to %scan3A_78 step %scan3A_79 iter_args(%scan3A_114 = %scan3A_75) -> (i32)  : i32 {
        %mul3A_115 = arith.constant 16 : i32
        %mul3A_116 = arith.muli %scan3A_113, %mul3A_115 : i32
        %mul3A_117 = arith.constant 16 : i32
        %mul3A_118 = arith.muli %scan3A_113, %mul3A_117 : i32
        %add3A_119 = arith.constant 6256 : i32
        %add3A_120 = arith.addi %add3A_119, %mul3A_118 : i32
        %mul3A_121 = arith.constant 16 : i32
        %mul3A_122 = arith.muli %scan3A_113, %mul3A_121 : i32
        %add3A_123 = arith.constant 12512 : i32
        %add3A_124 = arith.addi %add3A_123, %mul3A_122 : i32
        %get3A = arith.index_cast %mul3A_116 : i32 to index
        %get3A_125 = tpu.vector_load %arg6[%get3A] {strides = array<i32>} : memref<18768xf32, #tpu.memory_space<vmem>>, vector<16xf32>,
        %get3A_126 = vector.shape_cast %get3A_125 : vector<16xf32> to vector<16xf32>
        %get3A_127 = arith.index_cast %add3A_120 : i32 to index
        %get3A_128 = tpu.vector_load %arg6[%get3A_127] {strides = array<i32>} : memref<18768xf32, #tpu.memory_space<vmem>>, vector<16xf32>,
        %get3A_129 = vector.shape_cast %get3A_128 : vector<16xf32> to vector<16xf32>
        %add3A_130 = arith.addf %get3A_126, %get3A_129 : vector<16xf32>
        %get3A_131 = arith.index_cast %add3A_124 : i32 to index
        %get3A_132 = tpu.vector_load %arg6[%get3A_131] {strides = array<i32>} : memref<18768xf32, #tpu.memory_space<vmem>>, vector<16xf32>,
        %get3A_133 = vector.shape_cast %get3A_132 : vector<16xf32> to vector<16xf32>
        %add3A_134 = arith.addf %add3A_130, %get3A_133 : vector<16xf32>
        %swap3A = arith.index_cast %mul3A_116 : i32 to index
        %swap3A_135 = tpu.vector_load %arg7[%swap3A] {strides = array<i32>} : memref<18768xf32, #tpu.memory_space<vmem>>, vector<16xf32>,
        %swap3A_136 = vector.shape_cast %swap3A_135 : vector<16xf32> to vector<16xf32>
        %swap3A_137 = vector.shape_cast %add3A_134 : vector<16xf32> to vector<16xf32>
        tpu.vector_store %arg7[%swap3A], %swap3A_137 {strides = array<i32>} : memref<18768xf32, #tpu.memory_space<vmem>>, vector<16xf32>,
        %swap3A_138 = arith.index_cast %add3A_120 : i32 to index
        %swap3A_139 = tpu.vector_load %arg7[%swap3A_138] {strides = array<i32>} : memref<18768xf32, #tpu.memory_space<vmem>>, vector<16xf32>,
        %swap3A_140 = vector.shape_cast %swap3A_139 : vector<16xf32> to vector<16xf32>
        %swap3A_141 = vector.shape_cast %add3A_134 : vector<16xf32> to vector<16xf32>
        tpu.vector_store %arg7[%swap3A_138], %swap3A_141 {strides = array<i32>} : memref<18768xf32, #tpu.memory_space<vmem>>, vector<16xf32>,
        %swap3A_142 = arith.index_cast %add3A_124 : i32 to index
        %swap3A_143 = tpu.vector_load %arg7[%swap3A_142] {strides = array<i32>} : memref<18768xf32, #tpu.memory_space<vmem>>, vector<16xf32>,
        %swap3A_144 = vector.shape_cast %swap3A_143 : vector<16xf32> to vector<16xf32>
        %swap3A_145 = vector.shape_cast %add3A_134 : vector<16xf32> to vector<16xf32>
        tpu.vector_store %arg7[%swap3A_142], %swap3A_145 {strides = array<i32>} : memref<18768xf32, #tpu.memory_space<vmem>>, vector<16xf32>,
        %scan3A_146 = arith.constant 0 : i32
        scf.yield %scan3A_146 : i32
      }
      %scan3A_81 = arith.constant 391 : i32
      %dma_start3A_82 = arith.constant 0 : i32
      %dma_start3A_83 = tpu.memref_slice %arg12[%dma_start3A_82] : memref<100352xf32, #tpu.memory_space<vmem_shared>> -> memref<100352xf32, #tpu.memory_space<vmem_shared>>
      tpu.enqueue_indirect_dma source(%arg7 : memref<18768xf32, #tpu.memory_space<vmem>>) target(%dma_start3A_83 : memref<100352xf32, #tpu.memory_space<vmem_shared>>) offsets(%arg5 : memref<18768xi32, #tpu.memory_space<vmem>>) semaphore(%arg16 : memref<!tpu.dma_semaphore, #tpu.memory_space<semaphore_mem>>) {add = true}
      %dma_start3A_84 = arith.constant 0 : i32
      %dma_start3A_85 = tpu.memref_slice %arg10[%dma_start3A_84] : memref<100352xf32, #tpu.memory_space<vmem_shared>> -> memref<100352xf32, #tpu.memory_space<vmem_shared>>
      tpu.enqueue_indirect_dma source(%dma_start3A_85 : memref<100352xf32, #tpu.memory_space<vmem_shared>>) target(%arg6 : memref<18768xf32, #tpu.memory_space<vmem>>) offsets(%arg5 : memref<18768xi32, #tpu.memory_space<vmem>>) semaphore(%arg15 : memref<!tpu.dma_semaphore, #tpu.memory_space<semaphore_mem>>)
      %dma_wait3A_86 = arith.constant 0 : i32
      %dma_wait3A_87 = tpu.memref_slice %arg10[%dma_wait3A_86] : memref<100352xf32, #tpu.memory_space<vmem_shared>> -> memref<100352xf32, #tpu.memory_space<vmem_shared>>
      tpu.wait_indirect_dma semaphore(%arg15 : memref<!tpu.dma_semaphore, #tpu.memory_space<semaphore_mem>>) src(%dma_wait3A_87 : memref<100352xf32, #tpu.memory_space<vmem_shared>>) dst(%arg6 : memref<18768xf32, #tpu.memory_space<vmem>>)
      %dma_wait3A_88 = arith.constant 0 : i32
      %dma_wait3A_89 = tpu.memref_slice %arg12[%dma_wait3A_88] : memref<100352xf32, #tpu.memory_space<vmem_shared>> -> memref<100352xf32, #tpu.memory_space<vmem_shared>>
      tpu.wait_indirect_dma semaphore(%arg16 : memref<!tpu.dma_semaphore, #tpu.memory_space<semaphore_mem>>) src(%arg7 : memref<18768xf32, #tpu.memory_space<vmem>>) dst(%dma_wait3A_89 : memref<100352xf32, #tpu.memory_space<vmem_shared>>)
      %scan3A_90 = arith.constant 0 : i32
      %scan3A_91 = arith.constant 0 : i32
      %scan3A_92 = arith.constant 391 : i32
      %scan3A_93 = arith.addi %scan3A_91, %scan3A_92 : i32
      %scan3A_94 = arith.constant 1 : i32
      %scan3A_95 = scf.for %scan3A_113 = %scan3A_91 to %scan3A_93 step %scan3A_94 iter_args(%scan3A_114 = %scan3A_90) -> (i32)  : i32 {
        %mul3A_115 = arith.constant 16 : i32
        %mul3A_116 = arith.muli %scan3A_113, %mul3A_115 : i32
        %mul3A_117 = arith.constant 16 : i32
        %mul3A_118 = arith.muli %scan3A_113, %mul3A_117 : i32
        %add3A_119 = arith.constant 6256 : i32
        %add3A_120 = arith.addi %add3A_119, %mul3A_118 : i32
        %mul3A_121 = arith.constant 16 : i32
        %mul3A_122 = arith.muli %scan3A_113, %mul3A_121 : i32
        %add3A_123 = arith.constant 12512 : i32
        %add3A_124 = arith.addi %add3A_123, %mul3A_122 : i32
        %get3A = arith.index_cast %mul3A_116 : i32 to index
        %get3A_125 = tpu.vector_load %arg6[%get3A] {strides = array<i32>} : memref<18768xf32, #tpu.memory_space<vmem>>, vector<16xf32>,
        %get3A_126 = vector.shape_cast %get3A_125 : vector<16xf32> to vector<16xf32>
        %get3A_127 = arith.index_cast %add3A_120 : i32 to index
        %get3A_128 = tpu.vector_load %arg6[%get3A_127] {strides = array<i32>} : memref<18768xf32, #tpu.memory_space<vmem>>, vector<16xf32>,
        %get3A_129 = vector.shape_cast %get3A_128 : vector<16xf32> to vector<16xf32>
        %add3A_130 = arith.addf %get3A_126, %get3A_129 : vector<16xf32>
        %get3A_131 = arith.index_cast %add3A_124 : i32 to index
        %get3A_132 = tpu.vector_load %arg6[%get3A_131] {strides = array<i32>} : memref<18768xf32, #tpu.memory_space<vmem>>, vector<16xf32>,
        %get3A_133 = vector.shape_cast %get3A_132 : vector<16xf32> to vector<16xf32>
        %add3A_134 = arith.addf %add3A_130, %get3A_133 : vector<16xf32>
        %swap3A = arith.index_cast %mul3A_116 : i32 to index
        %swap3A_135 = tpu.vector_load %arg7[%swap3A] {strides = array<i32>} : memref<18768xf32, #tpu.memory_space<vmem>>, vector<16xf32>,
        %swap3A_136 = vector.shape_cast %swap3A_135 : vector<16xf32> to vector<16xf32>
        %swap3A_137 = vector.shape_cast %add3A_134 : vector<16xf32> to vector<16xf32>
        tpu.vector_store %arg7[%swap3A], %swap3A_137 {strides = array<i32>} : memref<18768xf32, #tpu.memory_space<vmem>>, vector<16xf32>,
        %swap3A_138 = arith.index_cast %add3A_120 : i32 to index
        %swap3A_139 = tpu.vector_load %arg7[%swap3A_138] {strides = array<i32>} : memref<18768xf32, #tpu.memory_space<vmem>>, vector<16xf32>,
        %swap3A_140 = vector.shape_cast %swap3A_139 : vector<16xf32> to vector<16xf32>
        %swap3A_141 = vector.shape_cast %add3A_134 : vector<16xf32> to vector<16xf32>
        tpu.vector_store %arg7[%swap3A_138], %swap3A_141 {strides = array<i32>} : memref<18768xf32, #tpu.memory_space<vmem>>, vector<16xf32>,
        %swap3A_142 = arith.index_cast %add3A_124 : i32 to index
        %swap3A_143 = tpu.vector_load %arg7[%swap3A_142] {strides = array<i32>} : memref<18768xf32, #tpu.memory_space<vmem>>, vector<16xf32>,
        %swap3A_144 = vector.shape_cast %swap3A_143 : vector<16xf32> to vector<16xf32>
        %swap3A_145 = vector.shape_cast %add3A_134 : vector<16xf32> to vector<16xf32>
        tpu.vector_store %arg7[%swap3A_142], %swap3A_145 {strides = array<i32>} : memref<18768xf32, #tpu.memory_space<vmem>>, vector<16xf32>,
        %scan3A_146 = arith.constant 0 : i32
        scf.yield %scan3A_146 : i32
      }
      %scan3A_96 = arith.constant 391 : i32
      %dma_start3A_97 = arith.constant 0 : i32
      %dma_start3A_98 = tpu.memref_slice %arg13[%dma_start3A_97] : memref<100352xf32, #tpu.memory_space<vmem_shared>> -> memref<100352xf32, #tpu.memory_space<vmem_shared>>
      tpu.enqueue_indirect_dma source(%arg7 : memref<18768xf32, #tpu.memory_space<vmem>>) target(%dma_start3A_98 : memref<100352xf32, #tpu.memory_space<vmem_shared>>) offsets(%arg5 : memref<18768xi32, #tpu.memory_space<vmem>>) semaphore(%arg16 : memref<!tpu.dma_semaphore, #tpu.memory_space<semaphore_mem>>) {add = true}
      %scan3A_99 = arith.constant 0 : i32
      %scan3A_100 = arith.constant 0 : i32
      %scan3A_101 = arith.constant 1173 : i32
      %scan3A_102 = arith.addi %scan3A_100, %scan3A_101 : i32
      %scan3A_103 = arith.constant 1 : i32
      %scan3A_104 = scf.for %scan3A_113 = %scan3A_100 to %scan3A_102 step %scan3A_103 iter_args(%scan3A_114 = %scan3A_99) -> (i32)  : i32 {
        %mul3A_115 = arith.constant 16 : i32
        %mul3A_116 = arith.muli %scan3A_113, %mul3A_115 : i32
        %swap3A = arith.index_cast %mul3A_116 : i32 to index
        %swap3A_117 = tpu.vector_load %arg6[%swap3A] {strides = array<i32>} : memref<18768xf32, #tpu.memory_space<vmem>>, vector<16xf32>,
        %swap3A_118 = vector.shape_cast %swap3A_117 : vector<16xf32> to vector<16xf32>
        %swap3A_119 = vector.shape_cast %broadcast_in_dim3A_26 : vector<16xf32> to vector<16xf32>
        tpu.vector_store %arg6[%swap3A], %swap3A_119 {strides = array<i32>} : memref<18768xf32, #tpu.memory_space<vmem>>, vector<16xf32>,
        %scan3A_120 = arith.constant 0 : i32
        scf.yield %scan3A_120 : i32
      }
      %scan3A_105 = arith.constant 1173 : i32
      %dma_start3A_106 = arith.constant 0 : i32
      %dma_start3A_107 = tpu.memref_slice %arg14[%dma_start3A_106] : memref<100352xf32, #tpu.memory_space<vmem_shared>> -> memref<100352xf32, #tpu.memory_space<vmem_shared>>
      tpu.enqueue_indirect_dma source(%arg6 : memref<18768xf32, #tpu.memory_space<vmem>>) target(%dma_start3A_107 : memref<100352xf32, #tpu.memory_space<vmem_shared>>) offsets(%arg5 : memref<18768xi32, #tpu.memory_space<vmem>>) semaphore(%arg16 : memref<!tpu.dma_semaphore, #tpu.memory_space<semaphore_mem>>) {add = true}
      %dma_wait3A_108 = arith.constant 0 : i32
      %dma_wait3A_109 = tpu.memref_slice %arg13[%dma_wait3A_108] : memref<100352xf32, #tpu.memory_space<vmem_shared>> -> memref<100352xf32, #tpu.memory_space<vmem_shared>>
      tpu.wait_indirect_dma semaphore(%arg16 : memref<!tpu.dma_semaphore, #tpu.memory_space<semaphore_mem>>) src(%arg7 : memref<18768xf32, #tpu.memory_space<vmem>>) dst(%dma_wait3A_109 : memref<100352xf32, #tpu.memory_space<vmem_shared>>)
      %dma_wait3A_110 = arith.constant 0 : i32
      %dma_wait3A_111 = tpu.memref_slice %arg14[%dma_wait3A_110] : memref<100352xf32, #tpu.memory_space<vmem_shared>> -> memref<100352xf32, #tpu.memory_space<vmem_shared>>
      tpu.wait_indirect_dma semaphore(%arg16 : memref<!tpu.dma_semaphore, #tpu.memory_space<semaphore_mem>>) src(%arg6 : memref<18768xf32, #tpu.memory_space<vmem>>) dst(%dma_wait3A_111 : memref<100352xf32, #tpu.memory_space<vmem_shared>>)
      %scan3A_112 = arith.constant 0 : i32
      scf.yield %scan3A_112 : i32
    }
    %scan3A_33 = arith.constant 2 : i32
    %barrier3A_34 = arith.constant 0 : index
    tpu.barrier barrier_id(%barrier3A_34)
    %mul3A_35 = arith.constant 4 : i32
    %mul3A_36 = arith.muli %arg0, %mul3A_35 : i32
    %mul3A_37 = arith.constant 100352 : i32
    %mul3A_38 = arith.muli %mul3A_36, %mul3A_37 : i32
    %add3A_39 = arith.addi %mul3A_38, %mul3A_7 : i32
    "tpu.region"() ({
      %run_scoped3A = tpu.sem_alloc : memref<!tpu.dma_semaphore, #tpu.memory_space<semaphore_mem>>
      %dma_start3A = tpu.memref_slice %arg4[%add3A_39] : memref<802816xf32, #tpu.memory_space<hbm>> -> memref<6272xf32, #tpu.memory_space<hbm>>
      %dma_start3A_49 = tpu.memref_slice %arg11[%mul3A_7] : memref<100352xf32, #tpu.memory_space<vmem_shared>> -> memref<6272xf32, #tpu.memory_space<vmem_shared>>
      tpu.enqueue_dma source(%dma_start3A_49 : memref<6272xf32, #tpu.memory_space<vmem_shared>>) target(%dma_start3A : memref<6272xf32, #tpu.memory_space<hbm>>) target_semaphore(%run_scoped3A : memref<!tpu.dma_semaphore, #tpu.memory_space<semaphore_mem>>)
      %dma_wait3A = tpu.memref_slice %arg4[%add3A_39] : memref<802816xf32, #tpu.memory_space<hbm>> -> memref<6272xf32, #tpu.memory_space<hbm>>
      %dma_wait3A_50 = tpu.memref_slice %arg11[%mul3A_7] : memref<100352xf32, #tpu.memory_space<vmem_shared>> -> memref<6272xf32, #tpu.memory_space<vmem_shared>>
      tpu.wait_dma2 semaphore(%run_scoped3A : memref<!tpu.dma_semaphore, #tpu.memory_space<semaphore_mem>>) src(%dma_wait3A_50 : memref<6272xf32, #tpu.memory_space<vmem_shared>>) dst(%dma_wait3A : memref<6272xf32, #tpu.memory_space<hbm>>)
      tpu.yield
    }) : () -> ()
    %add3A_40 = arith.constant 100352 : i32
    %add3A_41 = arith.addi %mul3A_38, %add3A_40 : i32
    %add3A_42 = arith.addi %add3A_41, %mul3A_7 : i32
    "tpu.region"() ({
      %run_scoped3A = tpu.sem_alloc : memref<!tpu.dma_semaphore, #tpu.memory_space<semaphore_mem>>
      %dma_start3A = tpu.memref_slice %arg4[%add3A_42] : memref<802816xf32, #tpu.memory_space<hbm>> -> memref<6272xf32, #tpu.memory_space<hbm>>
      %dma_start3A_49 = tpu.memref_slice %arg12[%mul3A_7] : memref<100352xf32, #tpu.memory_space<vmem_shared>> -> memref<6272xf32, #tpu.memory_space<vmem_shared>>
      tpu.enqueue_dma source(%dma_start3A_49 : memref<6272xf32, #tpu.memory_space<vmem_shared>>) target(%dma_start3A : memref<6272xf32, #tpu.memory_space<hbm>>) target_semaphore(%run_scoped3A : memref<!tpu.dma_semaphore, #tpu.memory_space<semaphore_mem>>)
      %dma_wait3A = tpu.memref_slice %arg4[%add3A_42] : memref<802816xf32, #tpu.memory_space<hbm>> -> memref<6272xf32, #tpu.memory_space<hbm>>
      %dma_wait3A_50 = tpu.memref_slice %arg12[%mul3A_7] : memref<100352xf32, #tpu.memory_space<vmem_shared>> -> memref<6272xf32, #tpu.memory_space<vmem_shared>>
      tpu.wait_dma2 semaphore(%run_scoped3A : memref<!tpu.dma_semaphore, #tpu.memory_space<semaphore_mem>>) src(%dma_wait3A_50 : memref<6272xf32, #tpu.memory_space<vmem_shared>>) dst(%dma_wait3A : memref<6272xf32, #tpu.memory_space<hbm>>)
      tpu.yield
    }) : () -> ()
    %add3A_43 = arith.constant 200704 : i32
    %add3A_44 = arith.addi %mul3A_38, %add3A_43 : i32
    %add3A_45 = arith.addi %add3A_44, %mul3A_7 : i32
    "tpu.region"() ({
      %run_scoped3A = tpu.sem_alloc : memref<!tpu.dma_semaphore, #tpu.memory_space<semaphore_mem>>
      %dma_start3A = tpu.memref_slice %arg4[%add3A_45] : memref<802816xf32, #tpu.memory_space<hbm>> -> memref<6272xf32, #tpu.memory_space<hbm>>
      %dma_start3A_49 = tpu.memref_slice %arg13[%mul3A_7] : memref<100352xf32, #tpu.memory_space<vmem_shared>> -> memref<6272xf32, #tpu.memory_space<vmem_shared>>
      tpu.enqueue_dma source(%dma_start3A_49 : memref<6272xf32, #tpu.memory_space<vmem_shared>>) target(%dma_start3A : memref<6272xf32, #tpu.memory_space<hbm>>) target_semaphore(%run_scoped3A : memref<!tpu.dma_semaphore, #tpu.memory_space<semaphore_mem>>)
      %dma_wait3A = tpu.memref_slice %arg4[%add3A_45] : memref<802816xf32, #tpu.memory_space<hbm>> -> memref<6272xf32, #tpu.memory_space<hbm>>
      %dma_wait3A_50 = tpu.memref_slice %arg13[%mul3A_7] : memref<100352xf32, #tpu.memory_space<vmem_shared>> -> memref<6272xf32, #tpu.memory_space<vmem_shared>>
      tpu.wait_dma2 semaphore(%run_scoped3A : memref<!tpu.dma_semaphore, #tpu.memory_space<semaphore_mem>>) src(%dma_wait3A_50 : memref<6272xf32, #tpu.memory_space<vmem_shared>>) dst(%dma_wait3A : memref<6272xf32, #tpu.memory_space<hbm>>)
      tpu.yield
    }) : () -> ()
    %add3A_46 = arith.constant 301056 : i32
    %add3A_47 = arith.addi %mul3A_38, %add3A_46 : i32
    %add3A_48 = arith.addi %add3A_47, %mul3A_7 : i32
    "tpu.region"() ({
      %run_scoped3A = tpu.sem_alloc : memref<!tpu.dma_semaphore, #tpu.memory_space<semaphore_mem>>
      %dma_start3A = tpu.memref_slice %arg4[%add3A_48] : memref<802816xf32, #tpu.memory_space<hbm>> -> memref<6272xf32, #tpu.memory_space<hbm>>
      %dma_start3A_49 = tpu.memref_slice %arg14[%mul3A_7] : memref<100352xf32, #tpu.memory_space<vmem_shared>> -> memref<6272xf32, #tpu.memory_space<vmem_shared>>
      tpu.enqueue_dma source(%dma_start3A_49 : memref<6272xf32, #tpu.memory_space<vmem_shared>>) target(%dma_start3A : memref<6272xf32, #tpu.memory_space<hbm>>) target_semaphore(%run_scoped3A : memref<!tpu.dma_semaphore, #tpu.memory_space<semaphore_mem>>)
      %dma_wait3A = tpu.memref_slice %arg4[%add3A_48] : memref<802816xf32, #tpu.memory_space<hbm>> -> memref<6272xf32, #tpu.memory_space<hbm>>
      %dma_wait3A_50 = tpu.memref_slice %arg14[%mul3A_7] : memref<100352xf32, #tpu.memory_space<vmem_shared>> -> memref<6272xf32, #tpu.memory_space<vmem_shared>>
      tpu.wait_dma2 semaphore(%run_scoped3A : memref<!tpu.dma_semaphore, #tpu.memory_space<semaphore_mem>>) src(%dma_wait3A_50 : memref<6272xf32, #tpu.memory_space<vmem_shared>>) dst(%dma_wait3A : memref<6272xf32, #tpu.memory_space<hbm>>)
      tpu.yield
    }) : () -> ()
    return
  }
}

module attributes {stable_mosaic.version = 14 : i64} {
  func.func @body(%arg0: i32, %arg1: memref<8x14336xf32, #tpu.memory_space<vmem>>, %arg2: memref<6x14336xf32, #tpu.memory_space<vmem>>, %arg3: memref<6x14336xf32, #tpu.memory_space<vmem>>) attributes {dimension_semantics = [#tpu.dimension_semantics<arbitrary>], iteration_bounds = array<i64: 7>, scalar_prefetch = 0 : i64, scratch_operands = 0 : i64, tpu.core_type = #tpu.core_type<tc>, window_params = [{transform_indices = @transform_0, window_bounds = array<i64: 8, 14336>}, {transform_indices = @transform_1, window_bounds = array<i64: 6, 14336>}, {transform_indices = @transform_2, window_bounds = array<i64: 6, 14336>}]} {
    %get3A = arith.constant 0 : index
    %get3A_0 = arith.constant 0 : index
    %get3A_1 = vector.load %arg1[%get3A, %get3A_0] : memref<8x14336xf32, #tpu.memory_space<vmem>>, vector<8x14336xf32>
    %get3A_2 = arith.constant 0 : index
    %get3A_3 = arith.constant 0 : index
    %get3A_4 = vector.load %arg2[%get3A_2, %get3A_3] : memref<6x14336xf32, #tpu.memory_space<vmem>>, vector<6x14336xf32>
    %slice3A = vector.extract_strided_slice %get3A_1 {offsets = [3, 0], sizes = [1, 14336], strides = [1, 1]} : vector<8x14336xf32> to vector<1x14336xf32>
    %slice3A_5 = vector.extract_strided_slice %get3A_1 {offsets = [7, 0], sizes = [1, 14336], strides = [1, 1]} : vector<8x14336xf32> to vector<1x14336xf32>
    %mul3A = arith.constant 3.000000e+00 : f32
    %mul3A_6 = vector.broadcast %mul3A : f32 to vector<1x14336xf32>
    %mul3A_7 = arith.mulf %mul3A_6, %slice3A : vector<1x14336xf32>
    %slice3A_8 = vector.extract_strided_slice %get3A_4 {offsets = [0, 0], sizes = [3, 14336], strides = [1, 1]} : vector<6x14336xf32> to vector<3x14336xf32>
    %mul3A_9 = vector.broadcast %mul3A_7 : vector<1x14336xf32> to vector<3x14336xf32>
    %mul3A_10 = arith.mulf %mul3A_9, %slice3A_8 : vector<3x14336xf32>
    %slice3A_11 = vector.extract_strided_slice %get3A_1 {offsets = [0, 0], sizes = [3, 14336], strides = [1, 1]} : vector<8x14336xf32> to vector<3x14336xf32>
    %sub3A = arith.subf %mul3A_10, %slice3A_11 : vector<3x14336xf32>
    %mul3A_12 = arith.constant 2.000000e+00 : f32
    %mul3A_13 = vector.broadcast %mul3A_12 : f32 to vector<1x14336xf32>
    %mul3A_14 = arith.mulf %mul3A_13, %slice3A : vector<1x14336xf32>
    %add3A = arith.constant 9.99999996E-13 : f32
    %add3A_15 = vector.broadcast %add3A : f32 to vector<1x14336xf32>
    %add3A_16 = arith.addf %mul3A_14, %add3A_15 : vector<1x14336xf32>
    %div3A = vector.broadcast %add3A_16 : vector<1x14336xf32> to vector<3x14336xf32>
    %div3A_17 = arith.divf %sub3A, %div3A : vector<3x14336xf32>
    %swap3A = arith.constant 0 : index
    %swap3A_18 = arith.constant 0 : index
    %swap3A_19 = vector.load %arg3[%swap3A, %swap3A_18] : memref<6x14336xf32, #tpu.memory_space<vmem>>, vector<3x14336xf32>
    tpu.vector_store %arg3[%swap3A, %swap3A_18], %div3A_17 {strides = array<i32>} : memref<6x14336xf32, #tpu.memory_space<vmem>>, vector<3x14336xf32>,
    %mul3A_20 = arith.constant 3.000000e+00 : f32
    %mul3A_21 = vector.broadcast %mul3A_20 : f32 to vector<1x14336xf32>
    %mul3A_22 = arith.mulf %mul3A_21, %slice3A_5 : vector<1x14336xf32>
    %slice3A_23 = vector.extract_strided_slice %get3A_4 {offsets = [3, 0], sizes = [3, 14336], strides = [1, 1]} : vector<6x14336xf32> to vector<3x14336xf32>
    %mul3A_24 = vector.broadcast %mul3A_22 : vector<1x14336xf32> to vector<3x14336xf32>
    %mul3A_25 = arith.mulf %mul3A_24, %slice3A_23 : vector<3x14336xf32>
    %slice3A_26 = vector.extract_strided_slice %get3A_1 {offsets = [4, 0], sizes = [3, 14336], strides = [1, 1]} : vector<8x14336xf32> to vector<3x14336xf32>
    %sub3A_27 = arith.subf %mul3A_25, %slice3A_26 : vector<3x14336xf32>
    %mul3A_28 = arith.constant 2.000000e+00 : f32
    %mul3A_29 = vector.broadcast %mul3A_28 : f32 to vector<1x14336xf32>
    %mul3A_30 = arith.mulf %mul3A_29, %slice3A_5 : vector<1x14336xf32>
    %add3A_31 = arith.constant 9.99999996E-13 : f32
    %add3A_32 = vector.broadcast %add3A_31 : f32 to vector<1x14336xf32>
    %add3A_33 = arith.addf %mul3A_30, %add3A_32 : vector<1x14336xf32>
    %div3A_34 = vector.broadcast %add3A_33 : vector<1x14336xf32> to vector<3x14336xf32>
    %div3A_35 = arith.divf %sub3A_27, %div3A_34 : vector<3x14336xf32>
    %swap3A_36 = arith.constant 3 : index
    %swap3A_37 = arith.constant 0 : index
    %swap3A_38 = vector.load %arg3[%swap3A_36, %swap3A_37] : memref<6x14336xf32, #tpu.memory_space<vmem>>, vector<3x14336xf32>
    tpu.vector_store %arg3[%swap3A_36, %swap3A_37], %div3A_35 {strides = array<i32>} : memref<6x14336xf32, #tpu.memory_space<vmem>>, vector<3x14336xf32>,
    return
  }
  func.func @transform_0(%arg0: i32) -> (i32, i32) {
    %c0_i32 = arith.constant 0 : i32
    %c0_i32_0 = arith.constant 0 : i32
    return %c0_i32, %arg0 : i32, i32
  }
  func.func @transform_1(%arg0: i32) -> (i32, i32) {
    %c0_i32 = arith.constant 0 : i32
    %c0_i32_0 = arith.constant 0 : i32
    return %c0_i32, %arg0 : i32, i32
  }
  func.func @transform_2(%arg0: i32) -> (i32, i32) {
    %c0_i32 = arith.constant 0 : i32
    %c0_i32_0 = arith.constant 0 : i32
    return %c0_i32, %arg0 : i32, i32
  }
}

</mosaic_0001>

<sc_bundles>
// kernel: kernel.4.cloned.1.call-start
scs
__scs_entry_jumppad:
0x0: {  	(pc) =	sbr.rel $0x88, $3  }
0x1: {  	(tag) =	ssettag $0x0;
	lr =	simm.s32 $0x1  }
0x2: {  	[smem:$0x3F9F] =	sst lr;
	_ =	strace $0xD0000000  }
0x3: {  	_ = 	snop  }
0x4: {  	_ = 	snop  }
0x5: {  	_ = 	snop  }
0x6: {  	_ = 	snop  }
0x7: {  	_ = 	snop  }
__scs_overlays_trampoline_lowered:
0x8: {  	[smem:$0x3FAE] =	sst s0  }
0x9: {  	[smem:$0x3FAF] =	sst s1  }
0xa: {  	[smem:$0x3FB0] =	sst s2  }
0xb: {  	[smem:$0x3FB1] =	sst s3  }
0xc: {  	[smem:$0x3FB2] =	sst s4  }
0xd: {  	[smem:$0x3FB3] =	sst s5  }
0xe: {  	[smem:$0x3FB4] =	sst s6  }
0xf: {  	[smem:$0x3FB5] =	sst s7  }
0x10: {  	[smem:$0x3FB6] =	sst s8  }
0x11: {  	[smem:$0x3FB7] =	sst s9;
	s0 =	simm.s32 @!p0 $0x0  }
0x12: {  	s1 =	sld [smem:$0x3F9D];
	s0 =	simm.s32 @p0 $0x1  }
0x13: {  	[smem:$0x3FB8] =	sst s0;
	s0 =	simm.s32 @!p1 $0x0  }
0x14: {  	s2 =	sld [smem:$0x3F9C];
	s0 =	simm.s32 @p1 $0x1  }
0x15: {  	[smem:$0x3FB9] =	sst s0;
	s0 =	simm.s32 @!p2 $0x0  }
0x16: {  	s3 =	sld [smem:$0x3FDB];
	s0 =	simm.s32 @p2 $0x1  }
0x17: {  	s4 =	simm.s32 $0x1BF5;
	[smem:$0x3FBB] =	sst s0  }
0x18: {  	s0 =	sld [smem:$0x3F9E];
	_ =	swait.ge [sflag:s4], $0x0  }
0x19: {  	s7 =	sld [smem:$0x3F9F]  }
0x1a: {  	s8 =	sadd.s32 $0xFFFFE003, lr  }
0x1b: {  	s9 =	sadd.s32 $0xFFFFFEF7, lr;
	s5 =	simm.s32 $0xFFFFFFFF;
	p2 =	slt.u32 s8, $0xFFFFF086  }
0x1c: {  	p1 =	slt.u32 s9, $0xF7A;
	s5 =	simm.s32 @!p2 $0x0  }
0x1d: {  	s5 =	simm.s32 @p1 $0x1;
	p0 =	seq.s32 s7, s2  }
0x1e: {  	s7 =	smul.u32 @!p0 $0xF7A, s2;
	p2 =	seq.s32 @!p0 s5, $0x0  }
0x1f: {  	s9 =	smul.u32 $0xF7A, s1;
	s8 =	simm.s32 @!p0 $0x1BF5;
	p2 =	por !p2, p0  }
0x20: {  	[sflag:s8] =	ssyncset.s32 @!p0 $0xFFFFF086;
	s6 =	sadd.s32 @!p0 s3, s7;
	s7 =	simm.s32 @!p0 $0x108  }
0x21: {  	s3 =	sadd.s32 s3, s9;
	s6 =	sadd.s32 @!p0 $0x88, s6;
	s7 =	simm.s32 @p2 $0x1082  }
0x22: {  	[simem:s7], [sflag:s8] =	dma.local @!p0 [hbm:s6], $0xF7A  }
0x23: {  	s9 =	sor.u32 $0xD0000000, s2;
	s6 =	simm.s32 $0x108;
	_ =	swait.ge @!p0 [sflag:s8], $0x0  }
0x24: {  	s3 =	sadd.s32 $0x88, s3;
	s6 =	simm.s32 @!p1 $0x1082;
	[sflag:s4] =	ssyncset.s32 $0xFFFFF086  }
0x25: {  	[simem:s6], [sflag:s4] =	dma.local [hbm:s3], $0xF7A  }
0x26: {  	[smem:$0x3F9F] =	sst s1;
	(tag) =	ssettag s2;
	_ =	strace s9  }
0x27: {  	s1 =	sld [smem:$0x3FAF]  }
0x28: {  	s2 =	sld [smem:$0x3FB0]  }
0x29: {  	s4 =	sld [smem:$0x3FB2]  }
0x2a: {  	p0 =	seq.s32 s5, $0x0;
	s5 =	sld [smem:$0x3FB3]  }
0x2b: {  	s6 =	sld [smem:$0x3FB4]  }
0x2c: {  	s7 =	sld [smem:$0x3FB5]  }
0x2d: {  	s3 =	simm.s32 $0x108;
	s8 =	sld [smem:$0x3FB6]  }
0x2e: {  	s3 =	simm.s32 @!p0 $0x1082;
	s9 =	sld [smem:$0x3FB7]  }
0x2f: {  	lr =	sadd.s32 s0, s3;
	s0 =	sld [smem:$0x3FAE]  }
0x30: {  	s3 =	sld [smem:$0x3FB1]  }
0x31: {  	[smem:$0x3FBA] =	sst s10  }
0x32: {  	s10 =	sld [smem:$0x3FB8];
	_ =	sdelay $0x3  }
0x33: {  	p0 =	seq.s32 s10, $0x1;
	s10 =	sld [smem:$0x3FBA];
	_ =	sdelay $0x3  }
0x34: {  	[smem:$0x3FBA] =	sst s10  }
0x35: {  	s10 =	sld [smem:$0x3FB9];
	_ =	sdelay $0x3  }
0x36: {  	p1 =	seq.s32 s10, $0x1;
	s10 =	sld [smem:$0x3FBA];
	_ =	sdelay $0x3  }
0x37: {  	[smem:$0x3FBA] =	sst s10  }
0x38: {  	s10 =	sld [smem:$0x3FBB]  }
0x39: {  	_ = 	snop;
	(pc) =	sbr.ind lr, $3  }
0x3a: {  	_ = 	snop  }
0x3b: {  	_ = 	snop  }
0x3c: {  	p2 =	seq.s32 s10, $0x1;
	s10 =	sld [smem:$0x3FBA]  }
0x3d: {  	_ =	shalt  }
0x3e: {  	_ =	shalt  }
0x3f: {  	_ =	shalt  }
0x40: {  	_ =	shalt  }
0x41: {  	_ =	shalt  }
0x42: {  	_ =	shalt  }
0x43: {  	_ =	shalt  }
0x44: {  	_ =	shalt  }
0x45: {  	_ =	shalt  }
0x46: {  	_ =	shalt  }
0x47: {  	_ =	shalt  }
0x48: {  	_ =	shalt  }
0x49: {  	_ =	shalt  }
0x4a: {  	_ =	shalt  }
0x4b: {  	_ =	shalt  }
0x4c: {  	_ =	shalt  }
0x4d: {  	_ =	shalt  }
0x4e: {  	_ =	shalt  }
0x4f: {  	_ =	shalt  }
0x50: {  	_ =	shalt  }
0x51: {  	_ =	shalt  }
0x52: {  	_ =	shalt  }
0x53: {  	_ =	shalt  }
0x54: {  	_ =	shalt  }
0x55: {  	_ =	shalt  }
0x56: {  	_ =	shalt  }
0x57: {  	_ =	shalt  }
0x58: {  	_ =	shalt  }
0x59: {  	_ =	shalt  }
0x5a: {  	_ =	shalt  }
0x5b: {  	_ =	shalt  }
0x5c: {  	_ =	shalt  }
0x5d: {  	_ =	shalt  }
0x5e: {  	_ =	shalt  }
0x5f: {  	_ =	shalt  }
0x60: {  	_ =	shalt  }
0x61: {  	_ =	shalt  }
0x62: {  	_ =	shalt  }
0x63: {  	_ =	shalt  }
0x64: {  	_ =	shalt  }
0x65: {  	_ =	shalt  }
0x66: {  	_ =	shalt  }
0x67: {  	_ =	shalt  }
0x68: {  	_ =	shalt  }
0x69: {  	_ =	shalt  }
0x6a: {  	_ =	shalt  }
0x6b: {  	_ =	shalt  }
0x6c: {  	_ =	shalt  }
0x6d: {  	_ =	shalt  }
0x6e: {  	_ =	shalt  }
0x6f: {  	_ =	shalt  }
0x70: {  	_ =	shalt  }
0x71: {  	_ =	shalt  }
0x72: {  	_ =	shalt  }
0x73: {  	_ =	shalt  }
0x74: {  	_ =	shalt  }
0x75: {  	_ =	shalt  }
0x76: {  	_ =	shalt  }
0x77: {  	_ =	shalt  }
0x78: {  	_ =	shalt  }
0x79: {  	_ =	shalt  }
0x7a: {  	_ =	shalt  }
0x7b: {  	_ =	shalt  }
0x7c: {  	_ =	shalt  }
0x7d: {  	_ =	shalt  }
0x7e: {  	_ =	shalt  }
0x7f: {  	_ =	shalt  }
0x80: {  	_ =	shalt  }
0x81: {  	_ =	shalt  }
0x82: {  	_ =	shalt  }
0x83: {  	_ =	shalt  }
0x84: {  	_ =	shalt  }
0x85: {  	_ =	shalt  }
0x86: {  	_ =	shalt  }
0x87: {  	_ =	shalt  }
.Lfunc_end0:
.L_simem_size_0:
called_computation_lowered:
.L_overlay_start_0:
0x88: {  	s2 =	sld [smem:$0x3FD9]  }
0x89: {  	s3 =	sld [smem:$0x3FFE];
	_ =	sdelay $0x1  }
0x8a: {  	s1 =	srdreg.scid  }
0x8b: {  	s0 =	sand.u32 $0x1, s1  }
0x8c: {  	s16 =	sshll.u32 s0, $0xA;
	s2 =	sadd.s32 s3, s2  }
0x8d: {  	s2 =	sadd.s32 s2, s16  }
0x8e: {  	[smem:$0x3FC6] =	sst s2  }
0x8f: {  	_ = 	snop  }
0x90: {  	(tm) =	ssettm $0x1  }
0x91: {  	s17 =	sld [smem:$0x3FFB];
	_ =	sdelay $0x3  }
0x92: {  	_ =	strace s17  }
0x93: {  	s2 =	sld [smem:$0x3FFC];
	_ =	sdelay $0x3  }
0x94: {  	_ =	strace s2  }
0x95: {  	s2 =	sld [smem:$0x3FFD];
	_ =	sdelay $0x3  }
0x96: {  	_ =	strace s2  }
0x97: {  	_ =	strace $0x8FFFFFFF  }
0x98: {  	s18 =	sld [smem:$0x3FDB];
	_ =	sdelay $0x1  }
0x99: {  	s19 =	simm.s32 $_scs_section_size  }
0x9a: {  	s4 =	simm.s32 $_size__tile_overlayer_lowered;
	s5 =	simm.s32 $_tile_overlayer_lowered  }
0x9b: {  	s22 =	simm.s32 $0x1BFF;
	s21 =	sshll.u32 s5, $0x1;
	s2 =	sadd.s32 s19, s18  }
0x9c: {  	s6 =	simm.s32 $0x0;
	s20 =	sshll.u32 s4, $0x1;
	s4 =	sadd.s32 s21, s2  }
0x9d: {  	[timem:s6], [sflag:s22] =	dma.local [hbm:s4], s20  }
0x9e: {  	_ =	swait.ge [sflag:s22], s20  }
0x9f: {  	s3 =	ssub.s32 $0x0, s20;
	[sflag:s22] =	ssyncset.done $0x0  }
0xa0: {  	[sflag:s22] =	ssyncadd.s32 s3;
	_ =	sdelay $0x1  }
0xa1: {  	s23 =	simm.s32 $0x1B8B  }
0xa2: {  	_ =	swait.ge [sflag:s23], $0x1  }
0xa3: {  	[sflag:s23] =	ssyncset.done $0x0  }
0xa4: {  	s25 =	simm.s32 $0x1B8E;
	s24 =	sld [smem:$0x3FFE];
	[sflag:s23] =	ssyncadd.s32 $0xFFFFFFFF  }
0xa5: {  	s26 =	simm.s32 $execute0_lowered;
	[smem:$0x3FD2] =	sst s25  }
0xa6: {  	s4 =	sshll.u32 s26, $0x1;
	_ =	strace $0x80000046;
	[dreg:$0x1] =	wrdreg $0xFFFFFFFF  }
0xa7: {  	s28 =	simm.s32 $_size_execute0_lowered;
	s2 =	sadd.s32 s2, s4;
	[dreg:$0x0] =	wrdreg $0x0  }
0xa8: {  	s4 =	sshll.u32 s28, $0x1;
	[dreg:$0x2] =	wrdreg s2  }
0xa9: {  	[dreg:$0x3] =	wrdreg s4  }
0xaa: {  	[dreg:$0x4] =	wrdreg $0xC0  }
0xab: {  	_ =	task [dreg:s6], $0x5FFFF  }
0xac: {  	[dreg:$0x1] =	wrdreg $0xFFFFFFFF  }
0xad: {  	[dreg:$0x0] =	wrdreg $0x60  }
0xae: {  	[dreg:$0x2] =	wrdreg s24  }
0xaf: {  	[dreg:$0x3] =	wrdreg $0xDC800  }
0xb0: {  	[dreg:$0x4] =	wrdreg $0xF5000  }
0xb1: {  	[dreg:$0x5] =	wrdreg $0x10D800  }
0xb2: {  	[dreg:$0x6] =	wrdreg $0x126000  }
0xb3: {  	[dreg:$0x7] =	wrdreg $0x13E800  }
0xb4: {  	[dreg:$0x8] =	wrdreg $0x157000  }
0xb5: {  	[dreg:$0x9] =	wrdreg $0x16F800  }
0xb6: {  	[dreg:$0xa] =	wrdreg $0x9  }
0xb7: {  	_ =	task.clear_ibuf [dreg:s6], $0xBFFFF;
	_ =	strace $0x90000046  }
0xb8: {  	s29 =	simm.s32 $0x9;
	_ =	strace $0x80000048  }
0xb9: {  	_ =	swait.ge [sflag:s29], $0x1  }
0xba: {  	[sflag:s29] =	ssyncadd.s32 $0xFFFFFFFF  }
0xbb: {  	_ =	strace $0x90000048  }
0xbc: {  	_ =	sfence  }
0xbd: {  	s30 =	sld [smem:$0x0];
	_ =	sdelay $0x2  }
0xbe: {  	s31 =	sshll.u32 s1, $0xD;
	s1 =	sshrl.u32 s1, $0x2  }
0xbf: {  	s3 =	sand.u32 $0x4000, s31;
	s1 =	sadd.s32 s1, s30  }
0xc0: {  	s0 =	sor.u32 s3, s0;
	s1 =	sshll.u32 s1, $0x11  }
0xc1: {  	s0 =	sor.u32 s1, s0  }
0xc2: {  	s0 =	sadd.s32 $0x8F2B, s0  }
0xc3: {  	[sflag:s0] =	ssyncadd.remote.s32 $0x1  }
0xc4: {  	_ =	sfence.sel $0xFFFF  }
0xc5: {  	[dreg:$0x0] =	wrdreg $0xFFFFFFFF;
	(pc) =	sbr.abs _section_cstart, $3  }
0xc6: {  	[dreg:$0x1] =	wrdreg $0xFFFFFFFF  }
0xc7: {  	_ =	task.clear_ibuf [dreg:s6], $0x2FFFF;
	_ =	strace $0x9FFFFFFF  }
0xc8: {  	(tm) =	ssettm $0x7FFFFFFF  }
0xc9: {  	_ =	shalt  }
tec
execute0_lowered:
.L_overlay_start_1:
0x0: {  	(tag) =	ssettag $0x1  }
0x1: {  	s2 =	rddreg [dreg:$0x0]  }
0x2: {  	s0 =	rddreg [dreg:$0x1]  }
0x3: {  	s1 =	rddreg [dreg:$0x2]  }
0x4: {  	s3 =	rddreg [dreg:$0x3]  }
0x5: {  	s4 =	rddreg [dreg:$0x4]  }
0x6: {  	s5 =	rddreg [dreg:$0x5]  }
0x7: {  	s6 =	srdreg.scid;
	s7 =	rddreg [dreg:$0x6]  }
0x8: {  	s16 =	stileid.u32;
	s8 =	rddreg [dreg:$0x7];
	s9 =	simm.s32 $0x0  }
0x9: {  	s29 =	simm.s32 $0x3;
	s30 =	simm.s32 $0x9300;
	s11 =	smul.u32 $0x1880, s16  }
0xa: {  	s31 =	simm.s32 $0x1870;
	s6 =	sand.u32 $0x1, s6;
	s26 =	smul.u32 $0x30E0, s16  }
0xb: {  	[smem:$0x7FF] =	sst s9;
	s24 =	sshll.u32 s16, $0x6;
	s10 =	smul.u32 $0x49800, s6  }
0xc: {  	s12 =	smul.u32 $0x62000, s6;
	_ =	strace $0x80000047;
	s14 =	ssub.s32 $0x2, s6  }
0xd: {  	s6 =	smul.u32 $0x92A00, s6;
	s23 =	sshrl.u32 s14, $0x1;
	s20 =	sadd.s32 s11, s0  }
0xe: {  	s21 =	sadd.s32 s11, s1;
	s22 =	sadd.s32 s11, s3;
	s16 =	sadd.s32 s11, s5  }
0xf: {  	s17 =	sadd.s32 s11, s7;
	s18 =	sadd.s32 s11, s8;
	s10 =	sadd.s32 s11, s10  }
0x10: {  	s12 =	sadd.s32 s11, s12;
	s14 =	ssub.s32 s14, s23;
	s19 =	sadd.s32 s26, s6  }
0x11: {  	s26 =	sshrl.u32 s20, $0x3;
	s28 =	sshrl.u32 s22, $0x3;
	s10 =	sshrl.u32 s10, $0x3  }
0x12: {  	s6 =	simm.s32 $0x30E0;
	s20 =	simm.s32 $0x0;
	s13 =	sadd.s32 s10, s2  }
0x13: {  	s12 =	sshrl.u32 s12, $0x3;
	[dreg:$0x11] =	wrdreg s26;
	s15 =	sadd.s32 $0xC00, s13  }
0x14: {  	s10 =	sadd.s32 $0x13200, s2;
	s25 =	sadd.s32 $0x3D00, s13;
	[dreg:$0x9] =	wrdreg s15  }
0x15: {  	s2 =	sadd.s32 s12, s2;
	s13 =	sadd.s32 $0x6E00, s13;
	[dreg:$0xa] =	wrdreg s25  }
0x16: {  	s26 =	sshrl.u32 s21, $0x3;
	s23 =	sadd.s32 $0x3AF00, s2;
	[dreg:$0xb] =	wrdreg s13  }
0x17: {  	s12 =	sor.u32 $0x1C03, s24;
	s24 =	sadd.s32 $0x3E000, s2;
	[dreg:$0xd] =	wrdreg s23  }
0x18: {  	s15 =	sadd.s32 s11, s4;
	s13 =	sadd.s32 $0x37E00, s2;
	[dreg:$0xe] =	wrdreg s24  }
0x19: {  	s2 =	sadd.s32 $0x41100, s2;
	s25 =	smax.u32 s14, $0x1;
	[dreg:$0xc] =	wrdreg s13  }
0x1a: {  	s11 =	simm.s32 $0x4980;
	s14 =	simm.s32 $0x2;
	[dreg:$0xf] =	wrdreg s2  }
0x1b: {  	v0 =	vimm.f32 $0.0e+00;
	v1 =	vimm.f32 $1.000000000e+00;
	[dreg:$0x10] =	wrdreg s25;
	s2 =	simm.s32 $0x4950;
	s13 =	simm.s32 $0x1  }
.LBB2_1:
0x1c: {  	s21 =	simm.s32 $0x40;
	s22 =	simm.s32 $0x0  }
.LBB2_2:
0x1d: {  	p0 =	sne.s32 s21, $0x61C0;
	[tilespmem:s22+$0x9300] =	vst v0;
	s22 =	smov.u32 s21;
	s21 =	sadd.s32 $0x40, s21  }
.Ltmp0:
0x1e: {  	(pc) =	sbr.rel @p0 .LBB2_2-.Ltmp0, $2  }
0x1f: {  	_ =	sdelay $0x2  }
0x20: {  	s22 =	sshra.s32 s22, $0x2  }
0x21: {  	s21 =	rddreg [dreg:$0x9]  }
0x22: {  	[tilespmem:s22+$0x9300] =	vst v0;
	s23 =	rddreg [dreg:$0x11]  }
0x23: {  	[spmem:s23], [sflag:s12] =	dma.local [hbm:s21], $0x310  }
0x24: {  	_ =	swait.ge [sflag:s29], $0x310  }
0x25: {  	[sflag:s29] =	ssyncset.done $0x0  }
0x26: {  	s24 =	rddreg [dreg:$0xa];
	[sflag:s29] =	ssyncadd.s32 $0xFFFFFCF0  }
0x27: {  	[spmem:s26], [sflag:s12] =	dma.local [hbm:s24], $0x310  }
0x28: {  	_ =	swait.ge [sflag:s29], $0x310  }
0x29: {  	[sflag:s29] =	ssyncset.done $0x0  }
0x2a: {  	s25 =	rddreg [dreg:$0xb];
	[sflag:s29] =	ssyncadd.s32 $0xFFFFFCF0  }
0x2b: {  	[spmem:s28], [sflag:s12] =	dma.local [hbm:s25], $0x310  }
0x2c: {  	_ =	swait.ge [sflag:s29], $0x310  }
0x2d: {  	[sflag:s29] =	ssyncset.done $0x0  }
0x2e: {  	[sflag:s29] =	ssyncadd.s32 $0xFFFFFCF0  }
0x2f: {  	[spmem:s15] =	stream.linear.scatter [tilespmem:s30], [sflag:$0x3], $0x1880, $0x38;
	[tilespmem:$0x18800] =	vst v63  }
0x30: {  	_ =	swait.ge [sflag:s29], $0x1880  }
0x31: {  	[sflag:s29] =	ssyncset.done $0x0  }
0x32: {  	[sflag:s29] =	ssyncadd.s32 $0xFFFFE780  }
0x33: {  	[spmem:s16] =	stream.linear.scatter [tilespmem:s30], [sflag:$0x3], $0x1880, $0x38;
	[tilespmem:$0x18800] =	vst v63  }
0x34: {  	_ =	swait.ge [sflag:s29], $0x1880  }
0x35: {  	[sflag:s29] =	ssyncset.done $0x0  }
0x36: {  	[sflag:s29] =	ssyncadd.s32 $0xFFFFE780  }
0x37: {  	[spmem:s17] =	stream.linear.scatter [tilespmem:s30], [sflag:$0x3], $0x1880, $0x38;
	[tilespmem:$0x18800] =	vst v63  }
0x38: {  	_ =	swait.ge [sflag:s29], $0x1880  }
0x39: {  	[sflag:s29] =	ssyncset.done $0x0  }
0x3a: {  	[sflag:s29] =	ssyncadd.s32 $0xFFFFE780  }
0x3b: {  	[spmem:s18] =	stream.linear.scatter [tilespmem:s30], [sflag:$0x3], $0x1880, $0x38;
	[tilespmem:$0x18800] =	vst v63  }
0x3c: {  	_ =	swait.ge [sflag:s29], $0x1880  }
0x3d: {  	[sflag:s29] =	ssyncset.done $0x0  }
0x3e: {  	p1 =	por $0x1, $0x1;
	[sflag:s29] =	ssyncadd.s32 $0xFFFFE780  }
0x3f: {  	s22 =	simm.s32 $0x0;
	s21 =	simm.s32 $0x0;
	[bflag:$0x0] =	sbarrier.arrive $0xFFFF  }
.LBB2_4:
0x40: {  	s22 =	sadd.s32 s22, s19  }
0x41: {  	s22 =	sshrl.u32 s22, $0x3  }
0x42: {  	s22 =	sadd.s32 s10, s22  }
0x43: {  	[tilespmem:s21], [sflag:$0x3] =	stream.linear.gather [hbm4b:s22+s21], $0x1870, $0x38;
	[tilespmem:$0x18800] =	vst v63  }
0x44: {  	_ =	swait.ge [sflag:s29], $0x1870  }
0x45: {  	[sflag:s29] =	ssyncset.done $0x0  }
0x46: {  	s23 =	sadd.s32 $0x61C0, s22;
	[sflag:s29] =	ssyncadd.s32 $0xFFFFE790  }
0x47: {  	[tilespmem:s31], [sflag:$0x3] =	stream.linear.gather [hbm4b:s23+s21], $0x1870, $0x38;
	[tilespmem:$0x18800] =	vst v63  }
0x48: {  	_ =	swait.ge [sflag:s29], $0x1870  }
0x49: {  	[sflag:s29] =	ssyncset.done $0x0  }
0x4a: {  	s22 =	sadd.s32 $0xC380, s22;
	[sflag:s29] =	ssyncadd.s32 $0xFFFFE790  }
0x4b: {  	[tilespmem:s6], [sflag:$0x3] =	stream.linear.gather [hbm4b:s22+s21], $0x1870, $0x38;
	[tilespmem:$0x18800] =	vst v63  }
0x4c: {  	_ =	swait.ge [sflag:s29], $0x1870  }
0x4d: {  	[sflag:s29] =	ssyncset.done $0x0  }
0x4e: {  	[sflag:s29] =	ssyncadd.s32 $0xFFFFE790  }
0x4f: {  	[tilespmem:s11], [sflag:$0x1] =	stream.indirect.gather [spmem:s0], $0x1, s21, s2, $0xb8;
	[tilespmem:$0x18800] =	vst v63  }
0x50: {  	_ =	swait.ge [sflag:s13], $0x4950  }
0x51: {  	[sflag:s13] =	ssyncset.done $0x0  }
0x52: {  	s23 =	simm.s32 $0x0;
	[sflag:s13] =	ssyncadd.s32 $0xFFFFB6B0  }
0x53: {  	v2 =	vld [tilespmem:s23+$0x4980]  }
0x54: {  	v3 =	vld [tilespmem:s23+$0x61F0];
	_ =	sdelay $0x1  }
0x55: {  	v4 =	vld [tilespmem:s23+$0x7A60];
	_ =	sdelay $0x1  }
0x56: {  	s22 =	simm.s32 $0x10  }
0x57: {  	v5 =	vld [tilespmem:s22+$0x61F0];
	v3 =	vadd.f32 v3, v2  }
0x58: {  	v2 =	vld [tilespmem:s22+$0x4980]  }
0x59: {  	v4 =	vadd.f32 v4, v3  }
0x5a: {  	v3 =	vld [tilespmem:s22+$0x7A60]  }
0x5b: {  	p0 =	por p1, p1;
	s24 =	simm.s32 $0x80;
	[tilespmem:s23+$0xC3E0] =	vst v4  }
.LBB2_5:
0x5c: {  	s25 =	sshra.s32 s24, $0x2;
	[tilespmem:s23+$0x9300] =	vst v4;
	p1 =	sne.s32 s24, $0x6180  }
.Ltmp1:
0x5d: {  	s24 =	sadd.s32 $0x40, s24;
	v6 =	vadd.f32 v5, v2;
	v2 =	vld [tilespmem:s25+$0x4980];
	[tilespmem:s23+$0xAB70] =	vst v4;
	(pc) =	sbr.rel @p1 .LBB2_5-.Ltmp1, $4  }
0x5e: {  	s23 =	smov.u32 s22;
	s22 =	smov.u32 s25;
	v5 =	vld [tilespmem:s25+$0x61F0]  }
0x5f: {  	v4 =	vadd.f32 v3, v6  }
0x60: {  	v3 =	vld [tilespmem:s22+$0x7A60]  }
0x61: {  	[tilespmem:s23+$0xC3E0] =	vst v4  }
0x62: {  	_ = 	snop  }
0x63: {  	v2 =	vadd.f32 v5, v2;
	_ =	sdelay $0x1  }
0x64: {  	[tilespmem:s23+$0x9300] =	vst v4;
	v2 =	vadd.f32 v3, v2  }
0x65: {  	[tilespmem:s23+$0xAB70] =	vst v4  }
0x66: {  	[tilespmem:s22+$0xC3E0] =	vst v2  }
0x67: {  	[tilespmem:s22+$0x9300] =	vst v2  }
0x68: {  	s25 =	simm.s32 $0x0;
	[tilespmem:s22+$0xAB70] =	vst v2  }
0x69: {  	[spmem:s4] =	stream.indirect.scatter.add.f32 [tilespmem:s30], [sflag:$0x2], $0x1, s25, s2, $0xb8;
	[tilespmem:$0x18800] =	vst v63  }
0x6a: {  	_ = 	snop  }
0x6b: {  	[tilespmem:s11], [sflag:$0x1] =	stream.indirect.gather [spmem:s1], $0x1, s25, s2, $0xb8;
	[tilespmem:$0x18800] =	vst v63  }
0x6c: {  	_ =	swait.ge [sflag:s13], $0x4950  }
0x6d: {  	[sflag:s13] =	ssyncset.done $0x0  }
0x6e: {  	[sflag:s13] =	ssyncadd.s32 $0xFFFFB6B0  }
0x6f: {  	_ =	swait.ge [sflag:s14], $0x4950  }
0x70: {  	[sflag:s14] =	ssyncset.done $0x0  }
0x71: {  	s23 =	simm.s32 $0x0;
	[sflag:s14] =	ssyncadd.s32 $0xFFFFB6B0  }
0x72: {  	v2 =	vld [tilespmem:s23+$0x4980]  }
0x73: {  	v3 =	vld [tilespmem:s23+$0x61F0];
	_ =	sdelay $0x1  }
0x74: {  	v4 =	vld [tilespmem:s23+$0x7A60];
	_ =	sdelay $0x1  }
0x75: {  	s22 =	simm.s32 $0x10  }
0x76: {  	v5 =	vld [tilespmem:s22+$0x61F0];
	v3 =	vadd.f32 v3, v2  }
0x77: {  	v2 =	vld [tilespmem:s22+$0x4980]  }
0x78: {  	v4 =	vadd.f32 v4, v3  }
0x79: {  	v3 =	vld [tilespmem:s22+$0x7A60]  }
0x7a: {  	s24 =	simm.s32 $0x80;
	[tilespmem:s23+$0xC3E0] =	vst v4  }
.LBB2_7:
0x7b: {  	s25 =	sshra.s32 s24, $0x2;
	[tilespmem:s23+$0x9300] =	vst v4;
	p1 =	sne.s32 s24, $0x6180  }
.Ltmp2:
0x7c: {  	s24 =	sadd.s32 $0x40, s24;
	v6 =	vadd.f32 v5, v2;
	v2 =	vld [tilespmem:s25+$0x4980];
	[tilespmem:s23+$0xAB70] =	vst v4;
	(pc) =	sbr.rel @p1 .LBB2_7-.Ltmp2, $4  }
0x7d: {  	s23 =	smov.u32 s22;
	s22 =	smov.u32 s25;
	v5 =	vld [tilespmem:s25+$0x61F0]  }
0x7e: {  	v4 =	vadd.f32 v3, v6  }
0x7f: {  	v3 =	vld [tilespmem:s22+$0x7A60]  }
0x80: {  	[tilespmem:s23+$0xC3E0] =	vst v4  }
0x81: {  	_ = 	snop  }
0x82: {  	v2 =	vadd.f32 v5, v2;
	_ =	sdelay $0x1  }
0x83: {  	[tilespmem:s23+$0x9300] =	vst v4;
	v2 =	vadd.f32 v3, v2  }
0x84: {  	[tilespmem:s23+$0xAB70] =	vst v4  }
0x85: {  	[tilespmem:s22+$0xC3E0] =	vst v2  }
0x86: {  	[tilespmem:s22+$0x9300] =	vst v2  }
0x87: {  	s25 =	simm.s32 $0x0;
	[tilespmem:s22+$0xAB70] =	vst v2  }
0x88: {  	[spmem:s5] =	stream.indirect.scatter.add.f32 [tilespmem:s30], [sflag:$0x2], $0x1, s25, s2, $0xb8;
	[tilespmem:$0x18800] =	vst v63  }
0x89: {  	_ = 	snop  }
0x8a: {  	[tilespmem:s11], [sflag:$0x1] =	stream.indirect.gather [spmem:s3], $0x1, s25, s2, $0xb8;
	[tilespmem:$0x18800] =	vst v63  }
0x8b: {  	_ =	swait.ge [sflag:s13], $0x4950  }
0x8c: {  	[sflag:s13] =	ssyncset.done $0x0  }
0x8d: {  	[sflag:s13] =	ssyncadd.s32 $0xFFFFB6B0  }
0x8e: {  	_ =	swait.ge [sflag:s14], $0x4950  }
0x8f: {  	[sflag:s14] =	ssyncset.done $0x0  }
0x90: {  	s23 =	simm.s32 $0x0;
	[sflag:s14] =	ssyncadd.s32 $0xFFFFB6B0  }
0x91: {  	v2 =	vld [tilespmem:s23+$0x4980]  }
0x92: {  	v3 =	vld [tilespmem:s23+$0x61F0];
	_ =	sdelay $0x1  }
0x93: {  	v4 =	vld [tilespmem:s23+$0x7A60];
	_ =	sdelay $0x1  }
0x94: {  	s22 =	simm.s32 $0x10  }
0x95: {  	v5 =	vld [tilespmem:s22+$0x61F0];
	v3 =	vadd.f32 v3, v2  }
0x96: {  	v2 =	vld [tilespmem:s22+$0x4980]  }
0x97: {  	v4 =	vadd.f32 v4, v3  }
0x98: {  	v3 =	vld [tilespmem:s22+$0x7A60]  }
0x99: {  	s24 =	simm.s32 $0x80;
	[tilespmem:s23+$0xC3E0] =	vst v4  }
.LBB2_9:
0x9a: {  	s25 =	sshra.s32 s24, $0x2;
	[tilespmem:s23+$0x9300] =	vst v4;
	p1 =	sne.s32 s24, $0x6180  }
.Ltmp3:
0x9b: {  	s24 =	sadd.s32 $0x40, s24;
	v6 =	vadd.f32 v5, v2;
	v2 =	vld [tilespmem:s25+$0x4980];
	[tilespmem:s23+$0xAB70] =	vst v4;
	(pc) =	sbr.rel @p1 .LBB2_9-.Ltmp3, $4  }
0x9c: {  	s23 =	smov.u32 s22;
	s22 =	smov.u32 s25;
	v5 =	vld [tilespmem:s25+$0x61F0]  }
0x9d: {  	v4 =	vadd.f32 v3, v6  }
0x9e: {  	v3 =	vld [tilespmem:s22+$0x7A60]  }
0x9f: {  	[tilespmem:s23+$0xC3E0] =	vst v4  }
0xa0: {  	_ = 	snop  }
0xa1: {  	v2 =	vadd.f32 v5, v2;
	_ =	sdelay $0x1  }
0xa2: {  	[tilespmem:s23+$0x9300] =	vst v4;
	v2 =	vadd.f32 v3, v2  }
0xa3: {  	[tilespmem:s23+$0xAB70] =	vst v4  }
0xa4: {  	[tilespmem:s22+$0xC3E0] =	vst v2  }
0xa5: {  	[tilespmem:s22+$0x9300] =	vst v2  }
0xa6: {  	s25 =	simm.s32 $0x0;
	s23 =	simm.s32 $0x0;
	[tilespmem:s22+$0xAB70] =	vst v2;
	s22 =	simm.s32 $0x40  }
0xa7: {  	[spmem:s7] =	stream.indirect.scatter.add.f32 [tilespmem:s30], [sflag:$0x2], $0x1, s25, s2, $0xb8;
	[tilespmem:$0x18800] =	vst v63  }
.LBB2_11:
0xa8: {  	p1 =	sne.s32 s22, $0x12500;
	[tilespmem:s23+$0x4980] =	vst v1;
	s23 =	smov.u32 s22;
	s22 =	sadd.s32 $0x40, s22  }
.Ltmp4:
0xa9: {  	(pc) =	sbr.rel @p1 .LBB2_11-.Ltmp4, $2  }
0xaa: {  	_ =	sdelay $0x2  }
0xab: {  	s23 =	sshra.s32 s23, $0x2  }
0xac: {  	[tilespmem:s23+$0x4980] =	vst v1  }
0xad: {  	[spmem:s8] =	stream.indirect.scatter.add.f32 [tilespmem:s11], [sflag:$0x2], $0x1, s9, s2, $0xb8;
	[tilespmem:$0x18800] =	vst v63  }
0xae: {  	_ =	swait.ge [sflag:s14], $0x4950  }
.Ltmp5:
0xaf: {  	[sflag:s14] =	ssyncset.done $0x0;
	(pc) =	sbr.rel @p0 .LBB2_4-.Ltmp5, $4  }
0xb0: {  	[sflag:s14] =	ssyncadd.s32 $0xFFFFB6B0  }
0xb1: {  	_ =	swait.ge [sflag:s14], $0x4950  }
0xb2: {  	[sflag:s14] =	ssyncset.done $0x0  }
0xb3: {  	s22 =	simm.s32 $0x1870;
	p1 =	por $0x0, $0x0;
	[sflag:s14] =	ssyncadd.s32 $0xFFFFB6B0  }
0xb4: {  	[bflag:$0x0] =	sbarrier.arrive $0xFFFF  }
0xb5: {  	s21 =	sshrl.u32 s15, $0x3;
	s22 =	rddreg [dreg:$0xc]  }
0xb6: {  	[hbm:s22], [sflag:s12] =	dma.local [spmem:s21], $0x310  }
0xb7: {  	_ =	swait.ge [sflag:s29], $0x310  }
0xb8: {  	[sflag:s29] =	ssyncset.done $0x0  }
0xb9: {  	s22 =	sshrl.u32 s16, $0x3;
	s23 =	rddreg [dreg:$0xd];
	[sflag:s29] =	ssyncadd.s32 $0xFFFFFCF0  }
0xba: {  	[hbm:s23], [sflag:s12] =	dma.local [spmem:s22], $0x310  }
0xbb: {  	_ =	swait.ge [sflag:s29], $0x310  }
0xbc: {  	[sflag:s29] =	ssyncset.done $0x0  }
0xbd: {  	s24 =	sshrl.u32 s17, $0x3;
	s25 =	rddreg [dreg:$0xe];
	[sflag:s29] =	ssyncadd.s32 $0xFFFFFCF0  }
0xbe: {  	[hbm:s25], [sflag:s12] =	dma.local [spmem:s24], $0x310  }
0xbf: {  	_ =	swait.ge [sflag:s29], $0x310  }
0xc0: {  	[sflag:s29] =	ssyncset.done $0x0  }
0xc1: {  	s23 =	sshrl.u32 s18, $0x3;
	s24 =	rddreg [dreg:$0xf];
	[sflag:s29] =	ssyncadd.s32 $0xFFFFFCF0  }
0xc2: {  	[hbm:s24], [sflag:s12] =	dma.local [spmem:s23], $0x310  }
0xc3: {  	_ =	swait.ge [sflag:s29], $0x310  }
0xc4: {  	s20 =	sadd.s32 $0x1, s20;
	s25 =	rddreg [dreg:$0x10]  }
0xc5: {  	p0 =	sne.s32 s20, s25  }
.Ltmp6:
0xc6: {  	_ = 	snop;
	(pc) =	sbr.rel @p0 .LBB2_1-.Ltmp6, $3  }
0xc7: {  	_ =	sdelay $0x1  }
0xc8: {  	[sflag:s29] =	ssyncset.done $0x0  }
0xc9: {  	[sflag:s29] =	ssyncadd.s32 $0xFFFFFCF0  }
0xca: {  	_ =	sfence.sel $0x180000  }
0xcb: {  	[bflag:$0x0] =	sbarrier.arrive $0xFFFF  }
0xcc: {  	_ =	strace $0x90000047  }
0xcd: {  	s0 =	stileid.u32;
	[bflag:$0x2] =	sbarrier.arrive $0xFFFF  }
0xce: {  	p0 =	sne.s32 s0, $0x0;
	s0 =	rddreg [dreg:$0x8]  }
0xcf: {  	s0 =	sadd.s32 @!p0 $0x100000, s0  }
0xd0: {  	[sflag:s0] =	ssyncadd.tile.s32 @!p0 $0x1;
	_ =	shalt  }
.Lfunc_end2:
_tile_overlayer_lowered:
.L_overlay_start_2:
0xd1: {  	(tag) =	ssettag $0x2  }
0xd2: {  	s0 =	rddreg [dreg:$0x0];
	s2 =	stileid.u32  }
0xd3: {  	s1 =	rddreg [dreg:$0x1];
	p0 =	sne.s32 s2, $0x0  }
0xd4: {  	s3 =	rddreg [dreg:$0x2];
	[bflag:$0x3] =	sbarrier.arrive $0xFFFF;
	s2 =	simm.s32 @!p0 $0x1C03  }
0xd5: {  	[timem:s3], [sflag:s2] =	dma.local @!p0 [hbm:s0], s1  }
0xd6: {  	s0 =	simm.s32 @!p0 $0x3  }
0xd7: {  	_ =	swait.ge @!p0 [sflag:s0], s1  }
0xd8: {  	s1 =	ssub.s32 @!p0 $0x0, s1;
	[sflag:s0] =	ssyncset.done @!p0 $0x0  }
0xd9: {  	[sflag:s0] =	ssyncadd.s32 @!p0 s1  }
0xda: {  	[bflag:$0x3] =	sbarrier.arrive $0xFFFF  }
0xdb: {  	_ =	shalt  }

</sc_bundles>
